<compile_context>
chip_gen: v7x
topology: tpu7x:2x2x1
jax: 0.10.2.dev20260603
libtpu: 0.0.44.dev20260713+nightly
codegen_flags: <defaults>
</compile_context>

<pallas_src>
import functools

import jax
import jax.numpy as jnp
from jax import lax
from jax.experimental import pallas as pl
from jax.experimental.pallas import tpu as pltpu
from jax.experimental.pallas import tpu_sc as plsc

NC = 2
NS = 16
L = 16
CHUNK = 128


def _bcast_splat(x_scalar):
    return jnp.full((L,), x_scalar, dtype=jnp.float32)


def _make_kernel(n_tokens, dim, comb_rows):
    assert dim % L == 0
    n_slices = dim // L
    nw = NC * NS
    assert n_tokens % (nw * CHUNK) == 0
    per_w = n_tokens // nw
    n_chunks = per_w // CHUNK
    assert n_chunks % 2 == 0
    chunk_rows = per_w // CHUNK

    mesh = plsc.VectorSubcoreMesh(core_axis_name="c", subcore_axis_name="s")

    @functools.partial(
        pl.kernel,
        mesh=mesh,
        out_type=jax.ShapeDtypeStruct((n_tokens, dim), jnp.float32),
        scratch_types=[
            pltpu.VMEM((chunk_rows, CHUNK), jnp.int32),
            pltpu.VMEM((chunk_rows, CHUNK), jnp.int32),
            pltpu.VMEM((CHUNK, dim), jnp.float32),
            pltpu.VMEM((CHUNK, dim), jnp.float32),
            pltpu.VMEM((CHUNK, dim), jnp.float32),
            pltpu.VMEM((CHUNK, dim), jnp.float32),
            pltpu.VMEM((CHUNK, dim), jnp.float32),
            pltpu.VMEM((CHUNK, dim), jnp.float32),
            pltpu.VMEM((dim,), jnp.float32),
            pltpu.VMEM((dim,), jnp.float32),
            pltpu.VMEM_SHARED((comb_rows, dim), jnp.float32),
            pltpu.SemaphoreType.DMA,
            pltpu.SemaphoreType.DMA,
            pltpu.SemaphoreType.DMA,
            pltpu.SemaphoreType.DMA,
            pltpu.SemaphoreType.DMA,
            pltpu.SemaphoreType.DMA,
        ],
        compiler_params=pltpu.CompilerParams(needs_layout_passes=False),
    )
    def k(ids_hbm, cidx_hbm, word_hbm, comb_hbm, gamma_hbm, beta_hbm,
          out_hbm, widx_all, cidx_all, wrows0, wrows1, crows0, crows1,
          outb0, outb1, g_v, b_v, comb_sh,
          semw0, semw1, semc0, semc1, semo0, semo1):
        wid = lax.axis_index("c") * NS + lax.axis_index("s")
        base0 = wid * per_w
        row0 = wid * chunk_rows

        wrows = [wrows0, wrows1]
        crows = [crows0, crows1]
        outb = [outb0, outb1]
        semw = [semw0, semw1]
        semc = [semc0, semc1]
        semo = [semo0, semo1]

        pltpu.sync_copy(gamma_hbm, g_v)
        pltpu.sync_copy(beta_hbm, b_v)
        pltpu.sync_copy(ids_hbm.at[wid], widx_all)
        pltpu.sync_copy(cidx_hbm.at[wid], cidx_all)

        @pl.when(lax.axis_index("s") == 0)
        def _():
            pltpu.sync_copy(comb_hbm, comb_sh)

        plsc.subcore_barrier()

        g = [g_v[pl.ds(L * j, L)] for j in range(n_slices)]
        b = [b_v[pl.ds(L * j, L)] for j in range(n_slices)]
        gp = [plsc.pack(g[2 * j], g[2 * j + 1],
                        format=plsc.PackFormat.INTERLEAVED)
              for j in range(n_slices // 2)]
        bp = [plsc.pack(b[2 * j], b[2 * j + 1],
                        format=plsc.PackFormat.INTERLEAVED)
              for j in range(n_slices // 2)]
        inv_d = jnp.float32(1.0 / dim)

        def launch_gathers(c, p):
            pltpu.async_copy(word_hbm.at[widx_all.at[c]], wrows[p], semw[p])
            pltpu.async_copy(comb_sh.at[cidx_all.at[c]], crows[p], semc[p])

        def wait_gathers(c, p):
            pltpu.make_async_copy(
                word_hbm.at[widx_all.at[c]], wrows[p], semw[p]).wait()
            pltpu.make_async_copy(
                comb_sh.at[cidx_all.at[c]], crows[p], semc[p]).wait()

        iota = lax.iota(jnp.int32, L)
        lane15 = jnp.full((L,), 15, jnp.int32)

        def xsum(v):
            return jnp.take_along_axis(jnp.cumsum(v), lane15, axis=0)

        def _tree_sum(vals):
            vals = list(vals)
            while len(vals) > 1:
                nxt = [vals[i] + vals[i + 1] for i in range(0, len(vals) - 1, 2)]
                if len(vals) % 2:
                    nxt.append(vals[-1])
                vals = nxt
            return vals[0]

        def compute_chunk(p):
            @plsc.parallel_loop(0, CHUNK, unroll=4)
            def tok_body(t):
                e = []
                sq = []
                for j in range(n_slices):
                    w = wrows[p][t, pl.ds(L * j, L)]
                    cc = crows[p][t, pl.ds(L * j, L)]
                    ej = w + cc
                    e.append(ej)
                    sq.append(ej * ej)
                acc = _tree_sum(e)
                acc2 = _tree_sum(sq)
                meanv = xsum(acc) * inv_d
                varv = xsum(acc2) * inv_d - meanv * meanv
                xv = varv + jnp.float32(1e-6)
                iv = lax.bitcast_convert_type(xv, jnp.int32)
                iv = jnp.int32(0x5F3759DF) - lax.shift_right_logical(iv, 1)
                y = lax.bitcast_convert_type(iv, jnp.float32)
                for _ in range(2):
                    y = y * (jnp.float32(1.5) - jnp.float32(0.5) * xv * y * y)
                for j in range(n_slices // 2):
                    d0 = e[2 * j] - meanv
                    d1 = e[2 * j + 1] - meanv
                    dp = plsc.pack(d0 * y, d1 * y,
                                   format=plsc.PackFormat.INTERLEAVED)
                    op = dp * gp[j] + bp[j]
                    o0, o1 = plsc.unpack(op, format=plsc.PackFormat.INTERLEAVED)
                    outb[p][t, pl.ds(L * 2 * j, L)] = o0
                    outb[p][t, pl.ds(L * (2 * j + 1), L)] = o1

        launch_gathers(0, 0)

        def body(i, carry):
            for p in (0, 1):
                c = 2 * i + p
                base = pl.multiple_of(base0 + c * CHUNK, CHUNK)
                q = 1 - p

                def prefetch():
                    launch_gathers(c + 1, q)

                if p == 0:
                    prefetch()
                else:
                    pl.when(i < n_chunks // 2 - 1)(prefetch)

                wait_gathers(c, p)

                @pl.when(c >= 2)
                def _():
                    pltpu.make_async_copy(
                        outb[p], out_hbm.at[pl.ds(base - 2 * CHUNK, CHUNK)],
                        semo[p]).wait()

                compute_chunk(p)
                pltpu.async_copy(
                    outb[p], out_hbm.at[pl.ds(base, CHUNK)], semo[p])
            return carry

        lax.fori_loop(0, n_chunks // 2, body, jnp.int32(0))

        for p in (0, 1):
            c = n_chunks - 2 + p
            base = pl.multiple_of(base0 + c * CHUNK, CHUNK)
            pltpu.make_async_copy(
                outb[p], out_hbm.at[pl.ds(base, CHUNK)], semo[p]).wait()

    return k


def kernel(input_ids, token_type_ids, word_table, pos_table, type_table,
           gamma, beta):
    batch, seq = input_ids.shape
    vocab, dim = word_table.shape
    tv = type_table.shape[0]
    n_tokens = batch * seq

    comb_table = (type_table[:, None, :] + pos_table[None, :seq, :]).reshape(
        tv * seq, dim)
    nw = NC * NS
    ids_mat = input_ids.reshape(nw, n_tokens // (nw * CHUNK), CHUNK).astype(
        jnp.int32)
    cidx_mat = (token_type_ids.astype(jnp.int32) * seq
                + jnp.arange(seq, dtype=jnp.int32)[None, :]).reshape(
                    nw, n_tokens // (nw * CHUNK), CHUNK)

    k = _make_kernel(n_tokens, dim, tv * seq)
    out = k(ids_mat, cidx_mat, word_table, comb_table,
            gamma.astype(jnp.float32), beta.astype(jnp.float32))
    return out.reshape(batch, seq, dim)

# --- scband reference (transcript-rebuilt; emitter-appended) ---
"""Pipeline reference for scband-bert-embedding-18597208392083 (READ-ONLY COPY).

The authoritative reference and input builder live on the scoring server;
editing this copy changes nothing except your own understanding.
"""

import jax, jax.numpy as jnp
import numpy as np

VOCAB = 100000
DIM = 128
MAX_POS = 512
TYPE_VOCAB = 2
B = 1024
S = 200


def setup_inputs(seed: int = 0) -> dict:
    key = jax.random.key(seed)
    k1, k2, k3, k4, k5, k6, k7 = jax.random.split(key, 7)
    input_ids = jax.random.randint(k1, (B, S), 0, VOCAB, dtype=jnp.int64 if jax.config.jax_enable_x64 else jnp.int32)
    token_type_ids = jax.random.randint(k2, (B, S), 0, TYPE_VOCAB, dtype=jnp.int64 if jax.config.jax_enable_x64 else jnp.int32)
    word_table = jax.random.normal(k3, (VOCAB, DIM), dtype=jnp.float32) * 0.02
    pos_table = jax.random.normal(k4, (MAX_POS, DIM), dtype=jnp.float32) * 0.02
    type_table = jax.random.normal(k5, (TYPE_VOCAB, DIM), dtype=jnp.float32) * 0.02
    gamma = jax.random.normal(k6, (DIM,), dtype=jnp.float32) * 0.02 + 1.0
    beta = jax.random.normal(k7, (DIM,), dtype=jnp.float32) * 0.02
    return {
        "input_ids": input_ids,
        "token_type_ids": token_type_ids,
        "word_table": word_table,
        "pos_table": pos_table,
        "type_table": type_table,
        "gamma": gamma,
        "beta": beta,
    }


def reference(input_ids, token_type_ids, word_table, pos_table, type_table, gamma, beta):
    # BERT-style embedding: word + position + token-type lookup, then layer norm.
    # Quantizers are in warmup (steps < warmup_steps) at init -> identity pass-through.
    seq_len = input_ids.shape[1]
    pos_ids = jnp.arange(seq_len)
    word_emb = jnp.take(word_table, input_ids, axis=0)          # gather [B,S,D]
    pos_emb = jnp.take(pos_table, pos_ids, axis=0)[None, :, :]  # gather [1,S,D]
    type_emb = jnp.take(type_table, token_type_ids, axis=0)     # gather [B,S,D]
    emb = word_emb + pos_emb + type_emb
    mean = jnp.mean(emb, axis=-1, keepdims=True)
    var = jnp.mean(jnp.square(emb - mean), axis=-1, keepdims=True)
    out = (emb - mean) * jax.lax.rsqrt(var + 1e-6) * gamma + beta
    return out

if __name__ == "__main__":
    import jax
    _d = setup_inputs()
    print(jax.jit(kernel)(*tuple(_d.values())))

</pallas_src>

<mosaic_0001>
#map = affine_map<(d0, d1) -> (0, 0, 0)>
#map1 = affine_map<(d0, d1) -> (0, 0)>
#map2 = affine_map<(d0, d1) -> (0)>
module attributes {stable_mosaic.version = 14 : i64} {
  func.func @k(%arg0: i32, %arg1: i32, %arg2: memref<32x50x128xi32, #tpu.memory_space<hbm>>, %arg3: memref<32x50x128xi32, #tpu.memory_space<hbm>>, %arg4: memref<100000x128xf32, #tpu.memory_space<hbm>>, %arg5: memref<400x128xf32, #tpu.memory_space<hbm>>, %arg6: memref<128xf32, #tpu.memory_space<hbm>>, %arg7: memref<128xf32, #tpu.memory_space<hbm>>, %arg8: memref<204800x128xf32, #tpu.memory_space<hbm>>, %arg9: memref<50x128xi32, #tpu.memory_space<vmem>>, %arg10: memref<50x128xi32, #tpu.memory_space<vmem>>, %arg11: memref<128x128xf32, #tpu.memory_space<vmem>>, %arg12: memref<128x128xf32, #tpu.memory_space<vmem>>, %arg13: memref<128x128xf32, #tpu.memory_space<vmem>>, %arg14: memref<128x128xf32, #tpu.memory_space<vmem>>, %arg15: memref<128x128xf32, #tpu.memory_space<vmem>>, %arg16: memref<128x128xf32, #tpu.memory_space<vmem>>, %arg17: memref<128xf32, #tpu.memory_space<vmem>>, %arg18: memref<128xf32, #tpu.memory_space<vmem>>, %arg19: memref<400x128xf32, #tpu.memory_space<vmem_shared>>, %arg20: memref<!tpu.dma_semaphore, #tpu.memory_space<semaphore_mem>>, %arg21: memref<!tpu.dma_semaphore, #tpu.memory_space<semaphore_mem>>, %arg22: memref<!tpu.dma_semaphore, #tpu.memory_space<semaphore_mem>>, %arg23: memref<!tpu.dma_semaphore, #tpu.memory_space<semaphore_mem>>, %arg24: memref<!tpu.dma_semaphore, #tpu.memory_space<semaphore_mem>>, %arg25: memref<!tpu.dma_semaphore, #tpu.memory_space<semaphore_mem>>) attributes {dimension_semantics = [#tpu.dimension_semantics<core_parallel>, #tpu.dimension_semantics<subcore_parallel>], iteration_bounds = array<i64: 2, 16>, scalar_prefetch = 0 : i64, scratch_operands = 17 : i64, tpu.core_type = #tpu.core_type<sc_vector_subcore>, window_params = [{transform_indices = #map}, {transform_indices = #map}, {transform_indices = #map1}, {transform_indices = #map1}, {transform_indices = #map2}, {transform_indices = #map2}, {transform_indices = #map1}]} {
    %mul3A = arith.constant 16 : i32
    %mul3A_0 = arith.muli %arg0, %mul3A : i32
    %add3A = arith.addi %mul3A_0, %arg1 : i32
    %mul3A_1 = arith.constant 6400 : i32
    %mul3A_2 = arith.muli %add3A, %mul3A_1 : i32
    %mul3A_3 = arith.constant 50 : i32
    %mul3A_4 = arith.muli %add3A, %mul3A_3 : i32
    "tpu.region"() ({
      %run_scoped3A = tpu.sem_alloc : memref<!tpu.dma_semaphore, #tpu.memory_space<semaphore_mem>>
      tpu.enqueue_dma source(%arg6 : memref<128xf32, #tpu.memory_space<hbm>>) target(%arg17 : memref<128xf32, #tpu.memory_space<vmem>>) target_semaphore(%run_scoped3A : memref<!tpu.dma_semaphore, #tpu.memory_space<semaphore_mem>>)
      tpu.wait_dma2 semaphore(%run_scoped3A : memref<!tpu.dma_semaphore, #tpu.memory_space<semaphore_mem>>) src(%arg6 : memref<128xf32, #tpu.memory_space<hbm>>) dst(%arg17 : memref<128xf32, #tpu.memory_space<vmem>>)
      tpu.yield
    }) : () -> ()
    "tpu.region"() ({
      %run_scoped3A = tpu.sem_alloc : memref<!tpu.dma_semaphore, #tpu.memory_space<semaphore_mem>>
      tpu.enqueue_dma source(%arg7 : memref<128xf32, #tpu.memory_space<hbm>>) target(%arg18 : memref<128xf32, #tpu.memory_space<vmem>>) target_semaphore(%run_scoped3A : memref<!tpu.dma_semaphore, #tpu.memory_space<semaphore_mem>>)
      tpu.wait_dma2 semaphore(%run_scoped3A : memref<!tpu.dma_semaphore, #tpu.memory_space<semaphore_mem>>) src(%arg7 : memref<128xf32, #tpu.memory_space<hbm>>) dst(%arg18 : memref<128xf32, #tpu.memory_space<vmem>>)
      tpu.yield
    }) : () -> ()
    "tpu.region"() ({
      %run_scoped3A = tpu.sem_alloc : memref<!tpu.dma_semaphore, #tpu.memory_space<semaphore_mem>>
      %dma_start3A_77 = arith.constant 0 : i32
      %dma_start3A_78 = arith.constant 0 : i32
      %dma_start3A_79 = tpu.memref_slice %arg2[%add3A, %dma_start3A_77, %dma_start3A_78] : memref<32x50x128xi32, #tpu.memory_space<hbm>> -> memref<1x50x128xi32, #tpu.memory_space<hbm>>
      %dma_start3A_80 = tpu.memref_squeeze %dma_start3A_79 : memref<1x50x128xi32, #tpu.memory_space<hbm>> -> memref<50x128xi32, #tpu.memory_space<hbm>>
      %dma_start3A_81 = arith.constant 0 : i32
      %dma_start3A_82 = arith.constant 0 : i32
      %dma_start3A_83 = tpu.memref_slice %arg2[%add3A, %dma_start3A_81, %dma_start3A_82] : memref<32x50x128xi32, #tpu.memory_space<hbm>> -> memref<1x50x128xi32, #tpu.memory_space<hbm>>
      %dma_start3A_84 = tpu.memref_squeeze %dma_start3A_83 : memref<1x50x128xi32, #tpu.memory_space<hbm>> -> memref<50x128xi32, #tpu.memory_space<hbm>>
      tpu.enqueue_dma source(%dma_start3A_84 : memref<50x128xi32, #tpu.memory_space<hbm>>) target(%arg9 : memref<50x128xi32, #tpu.memory_space<vmem>>) target_semaphore(%run_scoped3A : memref<!tpu.dma_semaphore, #tpu.memory_space<semaphore_mem>>)
      %dma_wait3A_85 = arith.constant 0 : i32
      %dma_wait3A_86 = arith.constant 0 : i32
      %dma_wait3A_87 = tpu.memref_slice %arg2[%add3A, %dma_wait3A_85, %dma_wait3A_86] : memref<32x50x128xi32, #tpu.memory_space<hbm>> -> memref<1x50x128xi32, #tpu.memory_space<hbm>>
      %dma_wait3A_88 = tpu.memref_squeeze %dma_wait3A_87 : memref<1x50x128xi32, #tpu.memory_space<hbm>> -> memref<50x128xi32, #tpu.memory_space<hbm>>
      %dma_wait3A_89 = arith.constant 0 : i32
      %dma_wait3A_90 = arith.constant 0 : i32
      %dma_wait3A_91 = tpu.memref_slice %arg2[%add3A, %dma_wait3A_89, %dma_wait3A_90] : memref<32x50x128xi32, #tpu.memory_space<hbm>> -> memref<1x50x128xi32, #tpu.memory_space<hbm>>
      %dma_wait3A_92 = tpu.memref_squeeze %dma_wait3A_91 : memref<1x50x128xi32, #tpu.memory_space<hbm>> -> memref<50x128xi32, #tpu.memory_space<hbm>>
      tpu.wait_dma2 semaphore(%run_scoped3A : memref<!tpu.dma_semaphore, #tpu.memory_space<semaphore_mem>>) src(%dma_wait3A_92 : memref<50x128xi32, #tpu.memory_space<hbm>>) dst(%arg9 : memref<50x128xi32, #tpu.memory_space<vmem>>)
      tpu.yield
    }) : () -> ()
    "tpu.region"() ({
      %run_scoped3A = tpu.sem_alloc : memref<!tpu.dma_semaphore, #tpu.memory_space<semaphore_mem>>
      %dma_start3A_77 = arith.constant 0 : i32
      %dma_start3A_78 = arith.constant 0 : i32
      %dma_start3A_79 = tpu.memref_slice %arg3[%add3A, %dma_start3A_77, %dma_start3A_78] : memref<32x50x128xi32, #tpu.memory_space<hbm>> -> memref<1x50x128xi32, #tpu.memory_space<hbm>>
      %dma_start3A_80 = tpu.memref_squeeze %dma_start3A_79 : memref<1x50x128xi32, #tpu.memory_space<hbm>> -> memref<50x128xi32, #tpu.memory_space<hbm>>
      %dma_start3A_81 = arith.constant 0 : i32
      %dma_start3A_82 = arith.constant 0 : i32
      %dma_start3A_83 = tpu.memref_slice %arg3[%add3A, %dma_start3A_81, %dma_start3A_82] : memref<32x50x128xi32, #tpu.memory_space<hbm>> -> memref<1x50x128xi32, #tpu.memory_space<hbm>>
      %dma_start3A_84 = tpu.memref_squeeze %dma_start3A_83 : memref<1x50x128xi32, #tpu.memory_space<hbm>> -> memref<50x128xi32, #tpu.memory_space<hbm>>
      tpu.enqueue_dma source(%dma_start3A_84 : memref<50x128xi32, #tpu.memory_space<hbm>>) target(%arg10 : memref<50x128xi32, #tpu.memory_space<vmem>>) target_semaphore(%run_scoped3A : memref<!tpu.dma_semaphore, #tpu.memory_space<semaphore_mem>>)
      %dma_wait3A_85 = arith.constant 0 : i32
      %dma_wait3A_86 = arith.constant 0 : i32
      %dma_wait3A_87 = tpu.memref_slice %arg3[%add3A, %dma_wait3A_85, %dma_wait3A_86] : memref<32x50x128xi32, #tpu.memory_space<hbm>> -> memref<1x50x128xi32, #tpu.memory_space<hbm>>
      %dma_wait3A_88 = tpu.memref_squeeze %dma_wait3A_87 : memref<1x50x128xi32, #tpu.memory_space<hbm>> -> memref<50x128xi32, #tpu.memory_space<hbm>>
      %dma_wait3A_89 = arith.constant 0 : i32
      %dma_wait3A_90 = arith.constant 0 : i32
      %dma_wait3A_91 = tpu.memref_slice %arg3[%add3A, %dma_wait3A_89, %dma_wait3A_90] : memref<32x50x128xi32, #tpu.memory_space<hbm>> -> memref<1x50x128xi32, #tpu.memory_space<hbm>>
      %dma_wait3A_92 = tpu.memref_squeeze %dma_wait3A_91 : memref<1x50x128xi32, #tpu.memory_space<hbm>> -> memref<50x128xi32, #tpu.memory_space<hbm>>
      tpu.wait_dma2 semaphore(%run_scoped3A : memref<!tpu.dma_semaphore, #tpu.memory_space<semaphore_mem>>) src(%dma_wait3A_92 : memref<50x128xi32, #tpu.memory_space<hbm>>) dst(%arg10 : memref<50x128xi32, #tpu.memory_space<vmem>>)
      tpu.yield
    }) : () -> ()
    %eq3A = arith.constant 0 : i32
    %eq3A_5 = arith.cmpi eq, %arg1, %eq3A : i32
    %convert_element_type3A = arith.extui %eq3A_5 : i1 to i32
    %cond3A = arith.constant 0 : i32
    %cond3A_6 = arith.cmpi ne, %convert_element_type3A, %cond3A : i32
    scf.if %cond3A_6 {
      "tpu.region"() ({
        %run_scoped3A = tpu.sem_alloc : memref<!tpu.dma_semaphore, #tpu.memory_space<semaphore_mem>>
        tpu.enqueue_dma source(%arg5 : memref<400x128xf32, #tpu.memory_space<hbm>>) target(%arg19 : memref<400x128xf32, #tpu.memory_space<vmem_shared>>) target_semaphore(%run_scoped3A : memref<!tpu.dma_semaphore, #tpu.memory_space<semaphore_mem>>)
        tpu.wait_dma2 semaphore(%run_scoped3A : memref<!tpu.dma_semaphore, #tpu.memory_space<semaphore_mem>>) src(%arg5 : memref<400x128xf32, #tpu.memory_space<hbm>>) dst(%arg19 : memref<400x128xf32, #tpu.memory_space<vmem_shared>>)
        tpu.yield
      }) : () -> ()
    } else {
    }
    %barrier3A = arith.constant 0 : index
    tpu.barrier barrier_id(%barrier3A)
    %get3A = arith.constant 0 : index
    %get3A_7 = tpu.vector_load %arg17[%get3A] {strides = array<i32>} : memref<128xf32, #tpu.memory_space<vmem>>, vector<16xf32>,
    %get3A_8 = arith.constant 16 : index
    %get3A_9 = tpu.vector_load %arg17[%get3A_8] {strides = array<i32>} : memref<128xf32, #tpu.memory_space<vmem>>, vector<16xf32>,
    %get3A_10 = arith.constant 32 : index
    %get3A_11 = tpu.vector_load %arg17[%get3A_10] {strides = array<i32>} : memref<128xf32, #tpu.memory_space<vmem>>, vector<16xf32>,
    %get3A_12 = arith.constant 48 : index
    %get3A_13 = tpu.vector_load %arg17[%get3A_12] {strides = array<i32>} : memref<128xf32, #tpu.memory_space<vmem>>, vector<16xf32>,
    %get3A_14 = arith.constant 64 : index
    %get3A_15 = tpu.vector_load %arg17[%get3A_14] {strides = array<i32>} : memref<128xf32, #tpu.memory_space<vmem>>, vector<16xf32>,
    %get3A_16 = arith.constant 80 : index
    %get3A_17 = tpu.vector_load %arg17[%get3A_16] {strides = array<i32>} : memref<128xf32, #tpu.memory_space<vmem>>, vector<16xf32>,
    %get3A_18 = arith.constant 96 : index
    %get3A_19 = tpu.vector_load %arg17[%get3A_18] {strides = array<i32>} : memref<128xf32, #tpu.memory_space<vmem>>, vector<16xf32>,
    %get3A_20 = arith.constant 112 : index
    %get3A_21 = tpu.vector_load %arg17[%get3A_20] {strides = array<i32>} : memref<128xf32, #tpu.memory_space<vmem>>, vector<16xf32>,
    %get3A_22 = arith.constant 0 : index
    %get3A_23 = tpu.vector_load %arg18[%get3A_22] {strides = array<i32>} : memref<128xf32, #tpu.memory_space<vmem>>, vector<16xf32>,
    %get3A_24 = arith.constant 16 : index
    %get3A_25 = tpu.vector_load %arg18[%get3A_24] {strides = array<i32>} : memref<128xf32, #tpu.memory_space<vmem>>, vector<16xf32>,
    %get3A_26 = arith.constant 32 : index
    %get3A_27 = tpu.vector_load %arg18[%get3A_26] {strides = array<i32>} : memref<128xf32, #tpu.memory_space<vmem>>, vector<16xf32>,
    %get3A_28 = arith.constant 48 : index
    %get3A_29 = tpu.vector_load %arg18[%get3A_28] {strides = array<i32>} : memref<128xf32, #tpu.memory_space<vmem>>, vector<16xf32>,
    %get3A_30 = arith.constant 64 : index
    %get3A_31 = tpu.vector_load %arg18[%get3A_30] {strides = array<i32>} : memref<128xf32, #tpu.memory_space<vmem>>, vector<16xf32>,
    %get3A_32 = arith.constant 80 : index
    %get3A_33 = tpu.vector_load %arg18[%get3A_32] {strides = array<i32>} : memref<128xf32, #tpu.memory_space<vmem>>, vector<16xf32>,
    %get3A_34 = arith.constant 96 : index
    %get3A_35 = tpu.vector_load %arg18[%get3A_34] {strides = array<i32>} : memref<128xf32, #tpu.memory_space<vmem>>, vector<16xf32>,
    %get3A_36 = arith.constant 112 : index
    %get3A_37 = tpu.vector_load %arg18[%get3A_36] {strides = array<i32>} : memref<128xf32, #tpu.memory_space<vmem>>, vector<16xf32>,
    %pack3A = tpu.pack_subelements %get3A_7, %get3A_9 {pack_format = #tpu.pack_format<interleaved>, positions = array<i32: 0, 1>} : vector<16xf32>, vector<16xf32> -> vector<32xbf16>
    %pack3A_38 = tpu.pack_subelements %get3A_11, %get3A_13 {pack_format = #tpu.pack_format<interleaved>, positions = array<i32: 0, 1>} : vector<16xf32>, vector<16xf32> -> vector<32xbf16>
    %pack3A_39 = tpu.pack_subelements %get3A_15, %get3A_17 {pack_format = #tpu.pack_format<interleaved>, positions = array<i32: 0, 1>} : vector<16xf32>, vector<16xf32> -> vector<32xbf16>
    %pack3A_40 = tpu.pack_subelements %get3A_19, %get3A_21 {pack_format = #tpu.pack_format<interleaved>, positions = array<i32: 0, 1>} : vector<16xf32>, vector<16xf32> -> vector<32xbf16>
    %pack3A_41 = tpu.pack_subelements %get3A_23, %get3A_25 {pack_format = #tpu.pack_format<interleaved>, positions = array<i32: 0, 1>} : vector<16xf32>, vector<16xf32> -> vector<32xbf16>
    %pack3A_42 = tpu.pack_subelements %get3A_27, %get3A_29 {pack_format = #tpu.pack_format<interleaved>, positions = array<i32: 0, 1>} : vector<16xf32>, vector<16xf32> -> vector<32xbf16>
    %pack3A_43 = tpu.pack_subelements %get3A_31, %get3A_33 {pack_format = #tpu.pack_format<interleaved>, positions = array<i32: 0, 1>} : vector<16xf32>, vector<16xf32> -> vector<32xbf16>
    %pack3A_44 = tpu.pack_subelements %get3A_35, %get3A_37 {pack_format = #tpu.pack_format<interleaved>, positions = array<i32: 0, 1>} : vector<16xf32>, vector<16xf32> -> vector<32xbf16>
    %iota3A = tpu.iota {dimensions = array<i32: 0>} : vector<16xi32>
    %broadcast_in_dim3A = arith.constant 15 : i32
    %broadcast_in_dim3A_45 = vector.broadcast %broadcast_in_dim3A : i32 to vector<16xi32>
    %dma_start3A = arith.constant 0 : i32
    %dma_start3A_46 = arith.constant 0 : i32
    %dma_start3A_47 = tpu.memref_slice %arg9[%dma_start3A, %dma_start3A_46] : memref<50x128xi32, #tpu.memory_space<vmem>> -> memref<1x128xi32, #tpu.memory_space<vmem>>
    %dma_start3A_48 = tpu.memref_squeeze %dma_start3A_47 : memref<1x128xi32, #tpu.memory_space<vmem>> -> memref<128xi32, #tpu.memory_space<vmem>>
    %dma_start3A_49 = arith.constant 0 : i32
    %dma_start3A_50 = arith.constant 0 : i32
    %dma_start3A_51 = tpu.memref_slice %arg4[%dma_start3A_49, %dma_start3A_50] : memref<100000x128xf32, #tpu.memory_space<hbm>> -> memref<100000x128xf32, #tpu.memory_space<hbm>>
    tpu.enqueue_indirect_dma source(%dma_start3A_51 : memref<100000x128xf32, #tpu.memory_space<hbm>>) target(%arg11 : memref<128x128xf32, #tpu.memory_space<vmem>>) offsets(%dma_start3A_48 : memref<128xi32, #tpu.memory_space<vmem>>) semaphore(%arg20 : memref<!tpu.dma_semaphore, #tpu.memory_space<semaphore_mem>>)
    %dma_start3A_52 = arith.constant 0 : i32
    %dma_start3A_53 = arith.constant 0 : i32
    %dma_start3A_54 = tpu.memref_slice %arg10[%dma_start3A_52, %dma_start3A_53] : memref<50x128xi32, #tpu.memory_space<vmem>> -> memref<1x128xi32, #tpu.memory_space<vmem>>
    %dma_start3A_55 = tpu.memref_squeeze %dma_start3A_54 : memref<1x128xi32, #tpu.memory_space<vmem>> -> memref<128xi32, #tpu.memory_space<vmem>>
    %dma_start3A_56 = arith.constant 0 : i32
    %dma_start3A_57 = arith.constant 0 : i32
    %dma_start3A_58 = tpu.memref_slice %arg19[%dma_start3A_56, %dma_start3A_57] : memref<400x128xf32, #tpu.memory_space<vmem_shared>> -> memref<400x128xf32, #tpu.memory_space<vmem_shared>>
    tpu.enqueue_indirect_dma source(%dma_start3A_58 : memref<400x128xf32, #tpu.memory_space<vmem_shared>>) target(%arg13 : memref<128x128xf32, #tpu.memory_space<vmem>>) offsets(%dma_start3A_55 : memref<128xi32, #tpu.memory_space<vmem>>) semaphore(%arg22 : memref<!tpu.dma_semaphore, #tpu.memory_space<semaphore_mem>>)
    %scan3A = arith.constant 0 : i32
    %scan3A_59 = arith.constant 7.812500e-03 : f32
    %scan3A_60 = arith.constant 0 : i32
    %scan3A_61 = arith.constant 25 : i32
    %scan3A_62 = arith.addi %scan3A_60, %scan3A_61 : i32
    %scan3A_63 = arith.constant 1 : i32
    scf.for %scan3A_77 = %scan3A_60 to %scan3A_62 step %scan3A_63  : i32 {
      %mul3A_78 = arith.constant 2 : i32
      %mul3A_79 = arith.muli %mul3A_78, %scan3A_77 : i32
      %add3A_80 = arith.constant 0 : i32
      %add3A_81 = arith.addi %mul3A_79, %add3A_80 : i32
      %mul3A_82 = arith.constant 128 : i32
      %mul3A_83 = arith.muli %add3A_81, %mul3A_82 : i32
      %add3A_84 = arith.addi %mul3A_2, %mul3A_83 : i32
      %multiple_of3A_85 = tpu.assume_multiple %add3A_84, 128 : i32
      %add3A_86 = arith.constant 1 : i32
      %add3A_87 = arith.addi %add3A_81, %add3A_86 : i32
      %dma_start3A_88 = arith.constant 0 : i32
      %dma_start3A_89 = tpu.memref_slice %arg9[%add3A_87, %dma_start3A_88] : memref<50x128xi32, #tpu.memory_space<vmem>> -> memref<1x128xi32, #tpu.memory_space<vmem>>
      %dma_start3A_90 = tpu.memref_squeeze %dma_start3A_89 : memref<1x128xi32, #tpu.memory_space<vmem>> -> memref<128xi32, #tpu.memory_space<vmem>>
      %dma_start3A_91 = arith.constant 0 : i32
      %dma_start3A_92 = arith.constant 0 : i32
      %dma_start3A_93 = tpu.memref_slice %arg4[%dma_start3A_91, %dma_start3A_92] : memref<100000x128xf32, #tpu.memory_space<hbm>> -> memref<100000x128xf32, #tpu.memory_space<hbm>>
      tpu.enqueue_indirect_dma source(%dma_start3A_93 : memref<100000x128xf32, #tpu.memory_space<hbm>>) target(%arg12 : memref<128x128xf32, #tpu.memory_space<vmem>>) offsets(%dma_start3A_90 : memref<128xi32, #tpu.memory_space<vmem>>) semaphore(%arg21 : memref<!tpu.dma_semaphore, #tpu.memory_space<semaphore_mem>>)
      %dma_start3A_94 = arith.constant 0 : i32
      %dma_start3A_95 = tpu.memref_slice %arg10[%add3A_87, %dma_start3A_94] : memref<50x128xi32, #tpu.memory_space<vmem>> -> memref<1x128xi32, #tpu.memory_space<vmem>>
      %dma_start3A_96 = tpu.memref_squeeze %dma_start3A_95 : memref<1x128xi32, #tpu.memory_space<vmem>> -> memref<128xi32, #tpu.memory_space<vmem>>
      %dma_start3A_97 = arith.constant 0 : i32
      %dma_start3A_98 = arith.constant 0 : i32
      %dma_start3A_99 = tpu.memref_slice %arg19[%dma_start3A_97, %dma_start3A_98] : memref<400x128xf32, #tpu.memory_space<vmem_shared>> -> memref<400x128xf32, #tpu.memory_space<vmem_shared>>
      tpu.enqueue_indirect_dma source(%dma_start3A_99 : memref<400x128xf32, #tpu.memory_space<vmem_shared>>) target(%arg14 : memref<128x128xf32, #tpu.memory_space<vmem>>) offsets(%dma_start3A_96 : memref<128xi32, #tpu.memory_space<vmem>>) semaphore(%arg23 : memref<!tpu.dma_semaphore, #tpu.memory_space<semaphore_mem>>)
      %dma_wait3A_100 = arith.constant 0 : i32
      %dma_wait3A_101 = tpu.memref_slice %arg9[%add3A_81, %dma_wait3A_100] : memref<50x128xi32, #tpu.memory_space<vmem>> -> memref<1x128xi32, #tpu.memory_space<vmem>>
      %dma_wait3A_102 = tpu.memref_squeeze %dma_wait3A_101 : memref<1x128xi32, #tpu.memory_space<vmem>> -> memref<128xi32, #tpu.memory_space<vmem>>
      %dma_wait3A_103 = arith.constant 0 : i32
      %dma_wait3A_104 = arith.constant 0 : i32
      %dma_wait3A_105 = tpu.memref_slice %arg4[%dma_wait3A_103, %dma_wait3A_104] : memref<100000x128xf32, #tpu.memory_space<hbm>> -> memref<100000x128xf32, #tpu.memory_space<hbm>>
      tpu.wait_indirect_dma semaphore(%arg20 : memref<!tpu.dma_semaphore, #tpu.memory_space<semaphore_mem>>) src(%dma_wait3A_105 : memref<100000x128xf32, #tpu.memory_space<hbm>>) dst(%arg11 : memref<128x128xf32, #tpu.memory_space<vmem>>)
      %dma_wait3A_106 = arith.constant 0 : i32
      %dma_wait3A_107 = tpu.memref_slice %arg10[%add3A_81, %dma_wait3A_106] : memref<50x128xi32, #tpu.memory_space<vmem>> -> memref<1x128xi32, #tpu.memory_space<vmem>>
      %dma_wait3A_108 = tpu.memref_squeeze %dma_wait3A_107 : memref<1x128xi32, #tpu.memory_space<vmem>> -> memref<128xi32, #tpu.memory_space<vmem>>
      %dma_wait3A_109 = arith.constant 0 : i32
      %dma_wait3A_110 = arith.constant 0 : i32
      %dma_wait3A_111 = tpu.memref_slice %arg19[%dma_wait3A_109, %dma_wait3A_110] : memref<400x128xf32, #tpu.memory_space<vmem_shared>> -> memref<400x128xf32, #tpu.memory_space<vmem_shared>>
      tpu.wait_indirect_dma semaphore(%arg22 : memref<!tpu.dma_semaphore, #tpu.memory_space<semaphore_mem>>) src(%dma_wait3A_111 : memref<400x128xf32, #tpu.memory_space<vmem_shared>>) dst(%arg13 : memref<128x128xf32, #tpu.memory_space<vmem>>)
      %ge3A = arith.constant 2 : i32
      %ge3A_112 = arith.cmpi sge, %add3A_81, %ge3A : i32
      %convert_element_type3A_113 = arith.extui %ge3A_112 : i1 to i32
      %cond3A_114 = arith.constant 0 : i32
      %cond3A_115 = arith.cmpi ne, %convert_element_type3A_113, %cond3A_114 : i32
      scf.if %cond3A_115 {
        %sub3A = arith.constant 256 : i32
        %sub3A_158 = arith.subi %multiple_of3A_85, %sub3A : i32
        %dma_wait3A_159 = arith.constant 0 : i32
        %dma_wait3A_160 = tpu.memref_slice %arg8[%sub3A_158, %dma_wait3A_159] : memref<204800x128xf32, #tpu.memory_space<hbm>> -> memref<128x128xf32, #tpu.memory_space<hbm>>
        %dma_wait3A_161 = arith.constant 0 : i32
        %dma_wait3A_162 = tpu.memref_slice %arg8[%sub3A_158, %dma_wait3A_161] : memref<204800x128xf32, #tpu.memory_space<hbm>> -> memref<128x128xf32, #tpu.memory_space<hbm>>
        tpu.wait_dma2 semaphore(%arg24 : memref<!tpu.dma_semaphore, #tpu.memory_space<semaphore_mem>>) src(%arg15 : memref<128x128xf32, #tpu.memory_space<vmem>>) dst(%dma_wait3A_162 : memref<128x128xf32, #tpu.memory_space<hbm>>)
      } else {
      }
      %parallel_loop3A = arith.constant 0 : i32
      %parallel_loop3A_116 = arith.constant 128 : i32
      %parallel_loop3A_117 = arith.constant 1 : i32
      scf.for %parallel_loop3A_158 = %parallel_loop3A to %parallel_loop3A_116 step %parallel_loop3A_117  : i32 {
        %parallel_loop3A_159 = arith.index_cast %parallel_loop3A_158 : i32 to index
        %parallel_loop3A_160 = arith.constant 0 : index
        %parallel_loop3A_161 = tpu.vector_load %arg11[%parallel_loop3A_159, %parallel_loop3A_160] {strides = array<i32>} : memref<128x128xf32, #tpu.memory_space<vmem>>, vector<16xf32>,
        %parallel_loop3A_162 = arith.index_cast %parallel_loop3A_158 : i32 to index
        %parallel_loop3A_163 = arith.constant 0 : index
        %parallel_loop3A_164 = tpu.vector_load %arg13[%parallel_loop3A_162, %parallel_loop3A_163] {strides = array<i32>} : memref<128x128xf32, #tpu.memory_space<vmem>>, vector<16xf32>,
        %parallel_loop3A_165 = arith.addf %parallel_loop3A_161, %parallel_loop3A_164 : vector<16xf32>
        %parallel_loop3A_166 = arith.mulf %parallel_loop3A_165, %parallel_loop3A_165 : vector<16xf32>
        %parallel_loop3A_167 = arith.index_cast %parallel_loop3A_158 : i32 to index
        %parallel_loop3A_168 = arith.constant 16 : index
        %parallel_loop3A_169 = tpu.vector_load %arg11[%parallel_loop3A_167, %parallel_loop3A_168] {strides = array<i32>} : memref<128x128xf32, #tpu.memory_space<vmem>>, vector<16xf32>,
        %parallel_loop3A_170 = arith.index_cast %parallel_loop3A_158 : i32 to index
        %parallel_loop3A_171 = arith.constant 16 : index
        %parallel_loop3A_172 = tpu.vector_load %arg13[%parallel_loop3A_170, %parallel_loop3A_171] {strides = array<i32>} : memref<128x128xf32, #tpu.memory_space<vmem>>, vector<16xf32>,
        %parallel_loop3A_173 = arith.addf %parallel_loop3A_169, %parallel_loop3A_172 : vector<16xf32>
        %parallel_loop3A_174 = arith.mulf %parallel_loop3A_173, %parallel_loop3A_173 : vector<16xf32>
        %parallel_loop3A_175 = arith.index_cast %parallel_loop3A_158 : i32 to index
        %parallel_loop3A_176 = arith.constant 32 : index
        %parallel_loop3A_177 = tpu.vector_load %arg11[%parallel_loop3A_175, %parallel_loop3A_176] {strides = array<i32>} : memref<128x128xf32, #tpu.memory_space<vmem>>, vector<16xf32>,
        %parallel_loop3A_178 = arith.index_cast %parallel_loop3A_158 : i32 to index
        %parallel_loop3A_179 = arith.constant 32 : index
        %parallel_loop3A_180 = tpu.vector_load %arg13[%parallel_loop3A_178, %parallel_loop3A_179] {strides = array<i32>} : memref<128x128xf32, #tpu.memory_space<vmem>>, vector<16xf32>,
        %parallel_loop3A_181 = arith.addf %parallel_loop3A_177, %parallel_loop3A_180 : vector<16xf32>
        %parallel_loop3A_182 = arith.mulf %parallel_loop3A_181, %parallel_loop3A_181 : vector<16xf32>
        %parallel_loop3A_183 = arith.index_cast %parallel_loop3A_158 : i32 to index
        %parallel_loop3A_184 = arith.constant 48 : index
        %parallel_loop3A_185 = tpu.vector_load %arg11[%parallel_loop3A_183, %parallel_loop3A_184] {strides = array<i32>} : memref<128x128xf32, #tpu.memory_space<vmem>>, vector<16xf32>,
        %parallel_loop3A_186 = arith.index_cast %parallel_loop3A_158 : i32 to index
        %parallel_loop3A_187 = arith.constant 48 : index
        %parallel_loop3A_188 = tpu.vector_load %arg13[%parallel_loop3A_186, %parallel_loop3A_187] {strides = array<i32>} : memref<128x128xf32, #tpu.memory_space<vmem>>, vector<16xf32>,
        %parallel_loop3A_189 = arith.addf %parallel_loop3A_185, %parallel_loop3A_188 : vector<16xf32>
        %parallel_loop3A_190 = arith.mulf %parallel_loop3A_189, %parallel_loop3A_189 : vector<16xf32>
        %parallel_loop3A_191 = arith.index_cast %parallel_loop3A_158 : i32 to index
        %parallel_loop3A_192 = arith.constant 64 : index
        %parallel_loop3A_193 = tpu.vector_load %arg11[%parallel_loop3A_191, %parallel_loop3A_192] {strides = array<i32>} : memref<128x128xf32, #tpu.memory_space<vmem>>, vector<16xf32>,
        %parallel_loop3A_194 = arith.index_cast %parallel_loop3A_158 : i32 to index
        %parallel_loop3A_195 = arith.constant 64 : index
        %parallel_loop3A_196 = tpu.vector_load %arg13[%parallel_loop3A_194, %parallel_loop3A_195] {strides = array<i32>} : memref<128x128xf32, #tpu.memory_space<vmem>>, vector<16xf32>,
        %parallel_loop3A_197 = arith.addf %parallel_loop3A_193, %parallel_loop3A_196 : vector<16xf32>
        %parallel_loop3A_198 = arith.mulf %parallel_loop3A_197, %parallel_loop3A_197 : vector<16xf32>
        %parallel_loop3A_199 = arith.index_cast %parallel_loop3A_158 : i32 to index
        %parallel_loop3A_200 = arith.constant 80 : index
        %parallel_loop3A_201 = tpu.vector_load %arg11[%parallel_loop3A_199, %parallel_loop3A_200] {strides = array<i32>} : memref<128x128xf32, #tpu.memory_space<vmem>>, vector<16xf32>,
        %parallel_loop3A_202 = arith.index_cast %parallel_loop3A_158 : i32 to index
        %parallel_loop3A_203 = arith.constant 80 : index
        %parallel_loop3A_204 = tpu.vector_load %arg13[%parallel_loop3A_202, %parallel_loop3A_203] {strides = array<i32>} : memref<128x128xf32, #tpu.memory_space<vmem>>, vector<16xf32>,
        %parallel_loop3A_205 = arith.addf %parallel_loop3A_201, %parallel_loop3A_204 : vector<16xf32>
        %parallel_loop3A_206 = arith.mulf %parallel_loop3A_205, %parallel_loop3A_205 : vector<16xf32>
        %parallel_loop3A_207 = arith.index_cast %parallel_loop3A_158 : i32 to index
        %parallel_loop3A_208 = arith.constant 96 : index
        %parallel_loop3A_209 = tpu.vector_load %arg11[%parallel_loop3A_207, %parallel_loop3A_208] {strides = array<i32>} : memref<128x128xf32, #tpu.memory_space<vmem>>, vector<16xf32>,
        %parallel_loop3A_210 = arith.index_cast %parallel_loop3A_158 : i32 to index
        %parallel_loop3A_211 = arith.constant 96 : index
        %parallel_loop3A_212 = tpu.vector_load %arg13[%parallel_loop3A_210, %parallel_loop3A_211] {strides = array<i32>} : memref<128x128xf32, #tpu.memory_space<vmem>>, vector<16xf32>,
        %parallel_loop3A_213 = arith.addf %parallel_loop3A_209, %parallel_loop3A_212 : vector<16xf32>
        %parallel_loop3A_214 = arith.mulf %parallel_loop3A_213, %parallel_loop3A_213 : vector<16xf32>
        %parallel_loop3A_215 = arith.index_cast %parallel_loop3A_158 : i32 to index
        %parallel_loop3A_216 = arith.constant 112 : index
        %parallel_loop3A_217 = tpu.vector_load %arg11[%parallel_loop3A_215, %parallel_loop3A_216] {strides = array<i32>} : memref<128x128xf32, #tpu.memory_space<vmem>>, vector<16xf32>,
        %parallel_loop3A_218 = arith.index_cast %parallel_loop3A_158 : i32 to index
        %parallel_loop3A_219 = arith.constant 112 : index
        %parallel_loop3A_220 = tpu.vector_load %arg13[%parallel_loop3A_218, %parallel_loop3A_219] {strides = array<i32>} : memref<128x128xf32, #tpu.memory_space<vmem>>, vector<16xf32>,
        %parallel_loop3A_221 = arith.addf %parallel_loop3A_217, %parallel_loop3A_220 : vector<16xf32>
        %parallel_loop3A_222 = arith.mulf %parallel_loop3A_221, %parallel_loop3A_221 : vector<16xf32>
        %parallel_loop3A_223 = arith.addf %parallel_loop3A_165, %parallel_loop3A_173 : vector<16xf32>
        %parallel_loop3A_224 = arith.addf %parallel_loop3A_181, %parallel_loop3A_189 : vector<16xf32>
        %parallel_loop3A_225 = arith.addf %parallel_loop3A_197, %parallel_loop3A_205 : vector<16xf32>
        %parallel_loop3A_226 = arith.addf %parallel_loop3A_213, %parallel_loop3A_221 : vector<16xf32>
        %parallel_loop3A_227 = arith.addf %parallel_loop3A_223, %parallel_loop3A_224 : vector<16xf32>
        %parallel_loop3A_228 = arith.addf %parallel_loop3A_225, %parallel_loop3A_226 : vector<16xf32>
        %parallel_loop3A_229 = arith.addf %parallel_loop3A_227, %parallel_loop3A_228 : vector<16xf32>
        %parallel_loop3A_230 = arith.addf %parallel_loop3A_166, %parallel_loop3A_174 : vector<16xf32>
        %parallel_loop3A_231 = arith.addf %parallel_loop3A_182, %parallel_loop3A_190 : vector<16xf32>
        %parallel_loop3A_232 = arith.addf %parallel_loop3A_198, %parallel_loop3A_206 : vector<16xf32>
        %parallel_loop3A_233 = arith.addf %parallel_loop3A_214, %parallel_loop3A_222 : vector<16xf32>
        %parallel_loop3A_234 = arith.addf %parallel_loop3A_230, %parallel_loop3A_231 : vector<16xf32>
        %parallel_loop3A_235 = arith.addf %parallel_loop3A_232, %parallel_loop3A_233 : vector<16xf32>
        %parallel_loop3A_236 = arith.addf %parallel_loop3A_234, %parallel_loop3A_235 : vector<16xf32>
        %parallel_loop3A_237 = arith.constant true
        %parallel_loop3A_238 = vector.broadcast %parallel_loop3A_237 : i1 to vector<16xi1>
        %parallel_loop3A_239 = tpu.scan <sum>, %parallel_loop3A_229 masked %parallel_loop3A_238 : vector<16xf32>, vector<16xi1> -> vector<16xf32>
        %parallel_loop3A_240 = arith.constant 0 : i32
        %parallel_loop3A_241 = vector.broadcast %parallel_loop3A_240 : i32 to vector<16xi32>
        %parallel_loop3A_242 = arith.cmpi slt, %broadcast_in_dim3A_45, %parallel_loop3A_241 : vector<16xi32>
        %parallel_loop3A_243 = arith.constant 16 : i32
        %parallel_loop3A_244 = vector.broadcast %parallel_loop3A_243 : i32 to vector<16xi32>
        %parallel_loop3A_245 = arith.addi %broadcast_in_dim3A_45, %parallel_loop3A_244 : vector<16xi32>
        %parallel_loop3A_246 = arith.select %parallel_loop3A_242, %parallel_loop3A_245, %broadcast_in_dim3A_45 : vector<16xi1>, vector<16xi32>
        %parallel_loop3A_247 = vector.shape_cast %parallel_loop3A_246 : vector<16xi32> to vector<16x1xi32>
        %parallel_loop3A_248 = vector.shape_cast %parallel_loop3A_247 : vector<16x1xi32> to vector<16xi32>
        %parallel_loop3A_249 = tpu.dynamic_gather %parallel_loop3A_239[%parallel_loop3A_248] in [0] : vector<16xf32>, vector<16xi32> -> vector<16xf32>
        %parallel_loop3A_250 = vector.broadcast %scan3A_59 : f32 to vector<16xf32>
        %parallel_loop3A_251 = arith.mulf %parallel_loop3A_249, %parallel_loop3A_250 : vector<16xf32>
        %parallel_loop3A_252 = arith.constant true
        %parallel_loop3A_253 = vector.broadcast %parallel_loop3A_252 : i1 to vector<16xi1>
        %parallel_loop3A_254 = tpu.scan <sum>, %parallel_loop3A_236 masked %parallel_loop3A_253 : vector<16xf32>, vector<16xi1> -> vector<16xf32>
        %parallel_loop3A_255 = arith.constant 0 : i32
        %parallel_loop3A_256 = vector.broadcast %parallel_loop3A_255 : i32 to vector<16xi32>
        %parallel_loop3A_257 = arith.cmpi slt, %broadcast_in_dim3A_45, %parallel_loop3A_256 : vector<16xi32>
        %parallel_loop3A_258 = arith.constant 16 : i32
        %parallel_loop3A_259 = vector.broadcast %parallel_loop3A_258 : i32 to vector<16xi32>
        %parallel_loop3A_260 = arith.addi %broadcast_in_dim3A_45, %parallel_loop3A_259 : vector<16xi32>
        %parallel_loop3A_261 = arith.select %parallel_loop3A_257, %parallel_loop3A_260, %broadcast_in_dim3A_45 : vector<16xi1>, vector<16xi32>
        %parallel_loop3A_262 = vector.shape_cast %parallel_loop3A_261 : vector<16xi32> to vector<16x1xi32>
        %parallel_loop3A_263 = vector.shape_cast %parallel_loop3A_262 : vector<16x1xi32> to vector<16xi32>
        %parallel_loop3A_264 = tpu.dynamic_gather %parallel_loop3A_254[%parallel_loop3A_263] in [0] : vector<16xf32>, vector<16xi32> -> vector<16xf32>
        %parallel_loop3A_265 = vector.broadcast %scan3A_59 : f32 to vector<16xf32>
        %parallel_loop3A_266 = arith.mulf %parallel_loop3A_264, %parallel_loop3A_265 : vector<16xf32>
        %parallel_loop3A_267 = arith.mulf %parallel_loop3A_251, %parallel_loop3A_251 : vector<16xf32>
        %parallel_loop3A_268 = arith.subf %parallel_loop3A_266, %parallel_loop3A_267 : vector<16xf32>
        %parallel_loop3A_269 = arith.constant 9.99999997E-7 : f32
        %parallel_loop3A_270 = vector.broadcast %parallel_loop3A_269 : f32 to vector<16xf32>
        %parallel_loop3A_271 = arith.addf %parallel_loop3A_268, %parallel_loop3A_270 : vector<16xf32>
        %parallel_loop3A_272 = tpu.bitcast %parallel_loop3A_271 : vector<16xf32> -> vector<16xi32>
        %parallel_loop3A_273 = arith.constant 1 : i32
        %parallel_loop3A_274 = vector.broadcast %parallel_loop3A_273 : i32 to vector<16xi32>
        %parallel_loop3A_275 = arith.shrui %parallel_loop3A_272, %parallel_loop3A_274 : vector<16xi32>
        %parallel_loop3A_276 = arith.constant 1597463007 : i32
        %parallel_loop3A_277 = vector.broadcast %parallel_loop3A_276 : i32 to vector<16xi32>
        %parallel_loop3A_278 = arith.subi %parallel_loop3A_277, %parallel_loop3A_275 : vector<16xi32>
        %parallel_loop3A_279 = tpu.bitcast %parallel_loop3A_278 : vector<16xi32> -> vector<16xf32>
        %parallel_loop3A_280 = arith.constant 5.000000e-01 : f32
        %parallel_loop3A_281 = vector.broadcast %parallel_loop3A_280 : f32 to vector<16xf32>
        %parallel_loop3A_282 = arith.mulf %parallel_loop3A_281, %parallel_loop3A_271 : vector<16xf32>
        %parallel_loop3A_283 = arith.mulf %parallel_loop3A_282, %parallel_loop3A_279 : vector<16xf32>
        %parallel_loop3A_284 = arith.mulf %parallel_loop3A_283, %parallel_loop3A_279 : vector<16xf32>
        %parallel_loop3A_285 = arith.constant 1.500000e+00 : f32
        %parallel_loop3A_286 = vector.broadcast %parallel_loop3A_285 : f32 to vector<16xf32>
        %parallel_loop3A_287 = arith.subf %parallel_loop3A_286, %parallel_loop3A_284 : vector<16xf32>
        %parallel_loop3A_288 = arith.mulf %parallel_loop3A_279, %parallel_loop3A_287 : vector<16xf32>
        %parallel_loop3A_289 = arith.constant 5.000000e-01 : f32
        %parallel_loop3A_290 = vector.broadcast %parallel_loop3A_289 : f32 to vector<16xf32>
        %parallel_loop3A_291 = arith.mulf %parallel_loop3A_290, %parallel_loop3A_271 : vector<16xf32>
        %parallel_loop3A_292 = arith.mulf %parallel_loop3A_291, %parallel_loop3A_288 : vector<16xf32>
        %parallel_loop3A_293 = arith.mulf %parallel_loop3A_292, %parallel_loop3A_288 : vector<16xf32>
        %parallel_loop3A_294 = arith.constant 1.500000e+00 : f32
        %parallel_loop3A_295 = vector.broadcast %parallel_loop3A_294 : f32 to vector<16xf32>
        %parallel_loop3A_296 = arith.subf %parallel_loop3A_295, %parallel_loop3A_293 : vector<16xf32>
        %parallel_loop3A_297 = arith.mulf %parallel_loop3A_288, %parallel_loop3A_296 : vector<16xf32>
        %parallel_loop3A_298 = arith.subf %parallel_loop3A_165, %parallel_loop3A_251 : vector<16xf32>
        %parallel_loop3A_299 = arith.subf %parallel_loop3A_173, %parallel_loop3A_251 : vector<16xf32>
        %parallel_loop3A_300 = arith.mulf %parallel_loop3A_298, %parallel_loop3A_297 : vector<16xf32>
        %parallel_loop3A_301 = arith.mulf %parallel_loop3A_299, %parallel_loop3A_297 : vector<16xf32>
        %parallel_loop3A_302 = tpu.pack_subelements %parallel_loop3A_300, %parallel_loop3A_301 {pack_format = #tpu.pack_format<interleaved>, positions = array<i32: 0, 1>} : vector<16xf32>, vector<16xf32> -> vector<32xbf16>
        %parallel_loop3A_303 = arith.mulf %parallel_loop3A_302, %pack3A : vector<32xbf16>
        %parallel_loop3A_304 = arith.addf %parallel_loop3A_303, %pack3A_41 : vector<32xbf16>
        %parallel_loop3A_305 = tpu.unpack_subelements %parallel_loop3A_304, 0 {pack_format = #tpu.pack_format<interleaved>} : vector<32xbf16> -> vector<16xf32>
        %parallel_loop3A_306 = tpu.unpack_subelements %parallel_loop3A_304, 1 {pack_format = #tpu.pack_format<interleaved>} : vector<32xbf16> -> vector<16xf32>
        %parallel_loop3A_307 = arith.index_cast %parallel_loop3A_158 : i32 to index
        %parallel_loop3A_308 = arith.constant 0 : index
        %parallel_loop3A_309 = tpu.vector_load %arg15[%parallel_loop3A_307, %parallel_loop3A_308] {strides = array<i32>} : memref<128x128xf32, #tpu.memory_space<vmem>>, vector<16xf32>,
        tpu.vector_store %arg15[%parallel_loop3A_307, %parallel_loop3A_308], %parallel_loop3A_305 {strides = array<i32>} : memref<128x128xf32, #tpu.memory_space<vmem>>, vector<16xf32>,
        %parallel_loop3A_310 = arith.index_cast %parallel_loop3A_158 : i32 to index
        %parallel_loop3A_311 = arith.constant 16 : index
        %parallel_loop3A_312 = tpu.vector_load %arg15[%parallel_loop3A_310, %parallel_loop3A_311] {strides = array<i32>} : memref<128x128xf32, #tpu.memory_space<vmem>>, vector<16xf32>,
        tpu.vector_store %arg15[%parallel_loop3A_310, %parallel_loop3A_311], %parallel_loop3A_306 {strides = array<i32>} : memref<128x128xf32, #tpu.memory_space<vmem>>, vector<16xf32>,
        %parallel_loop3A_313 = arith.subf %parallel_loop3A_181, %parallel_loop3A_251 : vector<16xf32>
        %parallel_loop3A_314 = arith.subf %parallel_loop3A_189, %parallel_loop3A_251 : vector<16xf32>
        %parallel_loop3A_315 = arith.mulf %parallel_loop3A_313, %parallel_loop3A_297 : vector<16xf32>
        %parallel_loop3A_316 = arith.mulf %parallel_loop3A_314, %parallel_loop3A_297 : vector<16xf32>
        %parallel_loop3A_317 = tpu.pack_subelements %parallel_loop3A_315, %parallel_loop3A_316 {pack_format = #tpu.pack_format<interleaved>, positions = array<i32: 0, 1>} : vector<16xf32>, vector<16xf32> -> vector<32xbf16>
        %parallel_loop3A_318 = arith.mulf %parallel_loop3A_317, %pack3A_38 : vector<32xbf16>
        %parallel_loop3A_319 = arith.addf %parallel_loop3A_318, %pack3A_42 : vector<32xbf16>
        %parallel_loop3A_320 = tpu.unpack_subelements %parallel_loop3A_319, 0 {pack_format = #tpu.pack_format<interleaved>} : vector<32xbf16> -> vector<16xf32>
        %parallel_loop3A_321 = tpu.unpack_subelements %parallel_loop3A_319, 1 {pack_format = #tpu.pack_format<interleaved>} : vector<32xbf16> -> vector<16xf32>
        %parallel_loop3A_322 = arith.index_cast %parallel_loop3A_158 : i32 to index
        %parallel_loop3A_323 = arith.constant 32 : index
        %parallel_loop3A_324 = tpu.vector_load %arg15[%parallel_loop3A_322, %parallel_loop3A_323] {strides = array<i32>} : memref<128x128xf32, #tpu.memory_space<vmem>>, vector<16xf32>,
        tpu.vector_store %arg15[%parallel_loop3A_322, %parallel_loop3A_323], %parallel_loop3A_320 {strides = array<i32>} : memref<128x128xf32, #tpu.memory_space<vmem>>, vector<16xf32>,
        %parallel_loop3A_325 = arith.index_cast %parallel_loop3A_158 : i32 to index
        %parallel_loop3A_326 = arith.constant 48 : index
        %parallel_loop3A_327 = tpu.vector_load %arg15[%parallel_loop3A_325, %parallel_loop3A_326] {strides = array<i32>} : memref<128x128xf32, #tpu.memory_space<vmem>>, vector<16xf32>,
        tpu.vector_store %arg15[%parallel_loop3A_325, %parallel_loop3A_326], %parallel_loop3A_321 {strides = array<i32>} : memref<128x128xf32, #tpu.memory_space<vmem>>, vector<16xf32>,
        %parallel_loop3A_328 = arith.subf %parallel_loop3A_197, %parallel_loop3A_251 : vector<16xf32>
        %parallel_loop3A_329 = arith.subf %parallel_loop3A_205, %parallel_loop3A_251 : vector<16xf32>
        %parallel_loop3A_330 = arith.mulf %parallel_loop3A_328, %parallel_loop3A_297 : vector<16xf32>
        %parallel_loop3A_331 = arith.mulf %parallel_loop3A_329, %parallel_loop3A_297 : vector<16xf32>
        %parallel_loop3A_332 = tpu.pack_subelements %parallel_loop3A_330, %parallel_loop3A_331 {pack_format = #tpu.pack_format<interleaved>, positions = array<i32: 0, 1>} : vector<16xf32>, vector<16xf32> -> vector<32xbf16>
        %parallel_loop3A_333 = arith.mulf %parallel_loop3A_332, %pack3A_39 : vector<32xbf16>
        %parallel_loop3A_334 = arith.addf %parallel_loop3A_333, %pack3A_43 : vector<32xbf16>
        %parallel_loop3A_335 = tpu.unpack_subelements %parallel_loop3A_334, 0 {pack_format = #tpu.pack_format<interleaved>} : vector<32xbf16> -> vector<16xf32>
        %parallel_loop3A_336 = tpu.unpack_subelements %parallel_loop3A_334, 1 {pack_format = #tpu.pack_format<interleaved>} : vector<32xbf16> -> vector<16xf32>
        %parallel_loop3A_337 = arith.index_cast %parallel_loop3A_158 : i32 to index
        %parallel_loop3A_338 = arith.constant 64 : index
        %parallel_loop3A_339 = tpu.vector_load %arg15[%parallel_loop3A_337, %parallel_loop3A_338] {strides = array<i32>} : memref<128x128xf32, #tpu.memory_space<vmem>>, vector<16xf32>,
        tpu.vector_store %arg15[%parallel_loop3A_337, %parallel_loop3A_338], %parallel_loop3A_335 {strides = array<i32>} : memref<128x128xf32, #tpu.memory_space<vmem>>, vector<16xf32>,
        %parallel_loop3A_340 = arith.index_cast %parallel_loop3A_158 : i32 to index
        %parallel_loop3A_341 = arith.constant 80 : index
        %parallel_loop3A_342 = tpu.vector_load %arg15[%parallel_loop3A_340, %parallel_loop3A_341] {strides = array<i32>} : memref<128x128xf32, #tpu.memory_space<vmem>>, vector<16xf32>,
        tpu.vector_store %arg15[%parallel_loop3A_340, %parallel_loop3A_341], %parallel_loop3A_336 {strides = array<i32>} : memref<128x128xf32, #tpu.memory_space<vmem>>, vector<16xf32>,
        %parallel_loop3A_343 = arith.subf %parallel_loop3A_213, %parallel_loop3A_251 : vector<16xf32>
        %parallel_loop3A_344 = arith.subf %parallel_loop3A_221, %parallel_loop3A_251 : vector<16xf32>
        %parallel_loop3A_345 = arith.mulf %parallel_loop3A_343, %parallel_loop3A_297 : vector<16xf32>
        %parallel_loop3A_346 = arith.mulf %parallel_loop3A_344, %parallel_loop3A_297 : vector<16xf32>
        %parallel_loop3A_347 = tpu.pack_subelements %parallel_loop3A_345, %parallel_loop3A_346 {pack_format = #tpu.pack_format<interleaved>, positions = array<i32: 0, 1>} : vector<16xf32>, vector<16xf32> -> vector<32xbf16>
        %parallel_loop3A_348 = arith.mulf %parallel_loop3A_347, %pack3A_40 : vector<32xbf16>
        %parallel_loop3A_349 = arith.addf %parallel_loop3A_348, %pack3A_44 : vector<32xbf16>
        %parallel_loop3A_350 = tpu.unpack_subelements %parallel_loop3A_349, 0 {pack_format = #tpu.pack_format<interleaved>} : vector<32xbf16> -> vector<16xf32>
        %parallel_loop3A_351 = tpu.unpack_subelements %parallel_loop3A_349, 1 {pack_format = #tpu.pack_format<interleaved>} : vector<32xbf16> -> vector<16xf32>
        %parallel_loop3A_352 = arith.index_cast %parallel_loop3A_158 : i32 to index
        %parallel_loop3A_353 = arith.constant 96 : index
        %parallel_loop3A_354 = tpu.vector_load %arg15[%parallel_loop3A_352, %parallel_loop3A_353] {strides = array<i32>} : memref<128x128xf32, #tpu.memory_space<vmem>>, vector<16xf32>,
        tpu.vector_store %arg15[%parallel_loop3A_352, %parallel_loop3A_353], %parallel_loop3A_350 {strides = array<i32>} : memref<128x128xf32, #tpu.memory_space<vmem>>, vector<16xf32>,
        %parallel_loop3A_355 = arith.index_cast %parallel_loop3A_158 : i32 to index
        %parallel_loop3A_356 = arith.constant 112 : index
        %parallel_loop3A_357 = tpu.vector_load %arg15[%parallel_loop3A_355, %parallel_loop3A_356] {strides = array<i32>} : memref<128x128xf32, #tpu.memory_space<vmem>>, vector<16xf32>,
        tpu.vector_store %arg15[%parallel_loop3A_355, %parallel_loop3A_356], %parallel_loop3A_351 {strides = array<i32>} : memref<128x128xf32, #tpu.memory_space<vmem>>, vector<16xf32>,
      } {sc.loop_unroll_factor = 4 : i64, sc.parallel_access}
      %dma_start3A_118 = arith.constant 0 : i32
      %dma_start3A_119 = tpu.memref_slice %arg8[%multiple_of3A_85, %dma_start3A_118] : memref<204800x128xf32, #tpu.memory_space<hbm>> -> memref<128x128xf32, #tpu.memory_space<hbm>>
      %dma_start3A_120 = arith.constant 0 : i32
      %dma_start3A_121 = tpu.memref_slice %arg8[%multiple_of3A_85, %dma_start3A_120] : memref<204800x128xf32, #tpu.memory_space<hbm>> -> memref<128x128xf32, #tpu.memory_space<hbm>>
      tpu.enqueue_dma source(%arg15 : memref<128x128xf32, #tpu.memory_space<vmem>>) target(%dma_start3A_121 : memref<128x128xf32, #tpu.memory_space<hbm>>) target_semaphore(%arg24 : memref<!tpu.dma_semaphore, #tpu.memory_space<semaphore_mem>>)
      %mul3A_122 = arith.constant 2 : i32
      %mul3A_123 = arith.muli %mul3A_122, %scan3A_77 : i32
      %add3A_124 = arith.constant 1 : i32
      %add3A_125 = arith.addi %mul3A_123, %add3A_124 : i32
      %mul3A_126 = arith.constant 128 : i32
      %mul3A_127 = arith.muli %add3A_125, %mul3A_126 : i32
      %add3A_128 = arith.addi %mul3A_2, %mul3A_127 : i32
      %multiple_of3A_129 = tpu.assume_multiple %add3A_128, 128 : i32
      %lt3A = arith.constant 24 : i32
      %lt3A_130 = arith.cmpi slt, %scan3A_77, %lt3A : i32
      %convert_element_type3A_131 = arith.extui %lt3A_130 : i1 to i32
      %cond3A_132 = arith.constant 0 : i32
      %cond3A_133 = arith.cmpi ne, %convert_element_type3A_131, %cond3A_132 : i32
      scf.if %cond3A_133 {
        %add3A_158 = arith.constant 1 : i32
        %add3A_159 = arith.addi %add3A_125, %add3A_158 : i32
        %dma_start3A_160 = arith.constant 0 : i32
        %dma_start3A_161 = tpu.memref_slice %arg9[%add3A_159, %dma_start3A_160] : memref<50x128xi32, #tpu.memory_space<vmem>> -> memref<1x128xi32, #tpu.memory_space<vmem>>
        %dma_start3A_162 = tpu.memref_squeeze %dma_start3A_161 : memref<1x128xi32, #tpu.memory_space<vmem>> -> memref<128xi32, #tpu.memory_space<vmem>>
        %dma_start3A_163 = arith.constant 0 : i32
        %dma_start3A_164 = arith.constant 0 : i32
        %dma_start3A_165 = tpu.memref_slice %arg4[%dma_start3A_163, %dma_start3A_164] : memref<100000x128xf32, #tpu.memory_space<hbm>> -> memref<100000x128xf32, #tpu.memory_space<hbm>>
        tpu.enqueue_indirect_dma source(%dma_start3A_165 : memref<100000x128xf32, #tpu.memory_space<hbm>>) target(%arg11 : memref<128x128xf32, #tpu.memory_space<vmem>>) offsets(%dma_start3A_162 : memref<128xi32, #tpu.memory_space<vmem>>) semaphore(%arg20 : memref<!tpu.dma_semaphore, #tpu.memory_space<semaphore_mem>>)
        %dma_start3A_166 = arith.constant 0 : i32
        %dma_start3A_167 = tpu.memref_slice %arg10[%add3A_159, %dma_start3A_166] : memref<50x128xi32, #tpu.memory_space<vmem>> -> memref<1x128xi32, #tpu.memory_space<vmem>>
        %dma_start3A_168 = tpu.memref_squeeze %dma_start3A_167 : memref<1x128xi32, #tpu.memory_space<vmem>> -> memref<128xi32, #tpu.memory_space<vmem>>
        %dma_start3A_169 = arith.constant 0 : i32
        %dma_start3A_170 = arith.constant 0 : i32
        %dma_start3A_171 = tpu.memref_slice %arg19[%dma_start3A_169, %dma_start3A_170] : memref<400x128xf32, #tpu.memory_space<vmem_shared>> -> memref<400x128xf32, #tpu.memory_space<vmem_shared>>
        tpu.enqueue_indirect_dma source(%dma_start3A_171 : memref<400x128xf32, #tpu.memory_space<vmem_shared>>) target(%arg13 : memref<128x128xf32, #tpu.memory_space<vmem>>) offsets(%dma_start3A_168 : memref<128xi32, #tpu.memory_space<vmem>>) semaphore(%arg22 : memref<!tpu.dma_semaphore, #tpu.memory_space<semaphore_mem>>)
      } else {
      }
      %dma_wait3A_134 = arith.constant 0 : i32
      %dma_wait3A_135 = tpu.memref_slice %arg9[%add3A_125, %dma_wait3A_134] : memref<50x128xi32, #tpu.memory_space<vmem>> -> memref<1x128xi32, #tpu.memory_space<vmem>>
      %dma_wait3A_136 = tpu.memref_squeeze %dma_wait3A_135 : memref<1x128xi32, #tpu.memory_space<vmem>> -> memref<128xi32, #tpu.memory_space<vmem>>
      %dma_wait3A_137 = arith.constant 0 : i32
      %dma_wait3A_138 = arith.constant 0 : i32
      %dma_wait3A_139 = tpu.memref_slice %arg4[%dma_wait3A_137, %dma_wait3A_138] : memref<100000x128xf32, #tpu.memory_space<hbm>> -> memref<100000x128xf32, #tpu.memory_space<hbm>>
      tpu.wait_indirect_dma semaphore(%arg21 : memref<!tpu.dma_semaphore, #tpu.memory_space<semaphore_mem>>) src(%dma_wait3A_139 : memref<100000x128xf32, #tpu.memory_space<hbm>>) dst(%arg12 : memref<128x128xf32, #tpu.memory_space<vmem>>)
      %dma_wait3A_140 = arith.constant 0 : i32
      %dma_wait3A_141 = tpu.memref_slice %arg10[%add3A_125, %dma_wait3A_140] : memref<50x128xi32, #tpu.memory_space<vmem>> -> memref<1x128xi32, #tpu.memory_space<vmem>>
      %dma_wait3A_142 = tpu.memref_squeeze %dma_wait3A_141 : memref<1x128xi32, #tpu.memory_space<vmem>> -> memref<128xi32, #tpu.memory_space<vmem>>
      %dma_wait3A_143 = arith.constant 0 : i32
      %dma_wait3A_144 = arith.constant 0 : i32
      %dma_wait3A_145 = tpu.memref_slice %arg19[%dma_wait3A_143, %dma_wait3A_144] : memref<400x128xf32, #tpu.memory_space<vmem_shared>> -> memref<400x128xf32, #tpu.memory_space<vmem_shared>>
      tpu.wait_indirect_dma semaphore(%arg23 : memref<!tpu.dma_semaphore, #tpu.memory_space<semaphore_mem>>) src(%dma_wait3A_145 : memref<400x128xf32, #tpu.memory_space<vmem_shared>>) dst(%arg14 : memref<128x128xf32, #tpu.memory_space<vmem>>)
      %ge3A_146 = arith.constant 2 : i32
      %ge3A_147 = arith.cmpi sge, %add3A_125, %ge3A_146 : i32
      %convert_element_type3A_148 = arith.extui %ge3A_147 : i1 to i32
      %cond3A_149 = arith.constant 0 : i32
      %cond3A_150 = arith.cmpi ne, %convert_element_type3A_148, %cond3A_149 : i32
      scf.if %cond3A_150 {
        %sub3A = arith.constant 256 : i32
        %sub3A_158 = arith.subi %multiple_of3A_129, %sub3A : i32
        %dma_wait3A_159 = arith.constant 0 : i32
        %dma_wait3A_160 = tpu.memref_slice %arg8[%sub3A_158, %dma_wait3A_159] : memref<204800x128xf32, #tpu.memory_space<hbm>> -> memref<128x128xf32, #tpu.memory_space<hbm>>
        %dma_wait3A_161 = arith.constant 0 : i32
        %dma_wait3A_162 = tpu.memref_slice %arg8[%sub3A_158, %dma_wait3A_161] : memref<204800x128xf32, #tpu.memory_space<hbm>> -> memref<128x128xf32, #tpu.memory_space<hbm>>
        tpu.wait_dma2 semaphore(%arg25 : memref<!tpu.dma_semaphore, #tpu.memory_space<semaphore_mem>>) src(%arg16 : memref<128x128xf32, #tpu.memory_space<vmem>>) dst(%dma_wait3A_162 : memref<128x128xf32, #tpu.memory_space<hbm>>)
      } else {
      }
      %parallel_loop3A_151 = arith.constant 0 : i32
      %parallel_loop3A_152 = arith.constant 128 : i32
      %parallel_loop3A_153 = arith.constant 1 : i32
      scf.for %parallel_loop3A_158 = %parallel_loop3A_151 to %parallel_loop3A_152 step %parallel_loop3A_153  : i32 {
        %parallel_loop3A_159 = arith.index_cast %parallel_loop3A_158 : i32 to index
        %parallel_loop3A_160 = arith.constant 0 : index
        %parallel_loop3A_161 = tpu.vector_load %arg12[%parallel_loop3A_159, %parallel_loop3A_160] {strides = array<i32>} : memref<128x128xf32, #tpu.memory_space<vmem>>, vector<16xf32>,
        %parallel_loop3A_162 = arith.index_cast %parallel_loop3A_158 : i32 to index
        %parallel_loop3A_163 = arith.constant 0 : index
        %parallel_loop3A_164 = tpu.vector_load %arg14[%parallel_loop3A_162, %parallel_loop3A_163] {strides = array<i32>} : memref<128x128xf32, #tpu.memory_space<vmem>>, vector<16xf32>,
        %parallel_loop3A_165 = arith.addf %parallel_loop3A_161, %parallel_loop3A_164 : vector<16xf32>
        %parallel_loop3A_166 = arith.mulf %parallel_loop3A_165, %parallel_loop3A_165 : vector<16xf32>
        %parallel_loop3A_167 = arith.index_cast %parallel_loop3A_158 : i32 to index
        %parallel_loop3A_168 = arith.constant 16 : index
        %parallel_loop3A_169 = tpu.vector_load %arg12[%parallel_loop3A_167, %parallel_loop3A_168] {strides = array<i32>} : memref<128x128xf32, #tpu.memory_space<vmem>>, vector<16xf32>,
        %parallel_loop3A_170 = arith.index_cast %parallel_loop3A_158 : i32 to index
        %parallel_loop3A_171 = arith.constant 16 : index
        %parallel_loop3A_172 = tpu.vector_load %arg14[%parallel_loop3A_170, %parallel_loop3A_171] {strides = array<i32>} : memref<128x128xf32, #tpu.memory_space<vmem>>, vector<16xf32>,
        %parallel_loop3A_173 = arith.addf %parallel_loop3A_169, %parallel_loop3A_172 : vector<16xf32>
        %parallel_loop3A_174 = arith.mulf %parallel_loop3A_173, %parallel_loop3A_173 : vector<16xf32>
        %parallel_loop3A_175 = arith.index_cast %parallel_loop3A_158 : i32 to index
        %parallel_loop3A_176 = arith.constant 32 : index
        %parallel_loop3A_177 = tpu.vector_load %arg12[%parallel_loop3A_175, %parallel_loop3A_176] {strides = array<i32>} : memref<128x128xf32, #tpu.memory_space<vmem>>, vector<16xf32>,
        %parallel_loop3A_178 = arith.index_cast %parallel_loop3A_158 : i32 to index
        %parallel_loop3A_179 = arith.constant 32 : index
        %parallel_loop3A_180 = tpu.vector_load %arg14[%parallel_loop3A_178, %parallel_loop3A_179] {strides = array<i32>} : memref<128x128xf32, #tpu.memory_space<vmem>>, vector<16xf32>,
        %parallel_loop3A_181 = arith.addf %parallel_loop3A_177, %parallel_loop3A_180 : vector<16xf32>
        %parallel_loop3A_182 = arith.mulf %parallel_loop3A_181, %parallel_loop3A_181 : vector<16xf32>
        %parallel_loop3A_183 = arith.index_cast %parallel_loop3A_158 : i32 to index
        %parallel_loop3A_184 = arith.constant 48 : index
        %parallel_loop3A_185 = tpu.vector_load %arg12[%parallel_loop3A_183, %parallel_loop3A_184] {strides = array<i32>} : memref<128x128xf32, #tpu.memory_space<vmem>>, vector<16xf32>,
        %parallel_loop3A_186 = arith.index_cast %parallel_loop3A_158 : i32 to index
        %parallel_loop3A_187 = arith.constant 48 : index
        %parallel_loop3A_188 = tpu.vector_load %arg14[%parallel_loop3A_186, %parallel_loop3A_187] {strides = array<i32>} : memref<128x128xf32, #tpu.memory_space<vmem>>, vector<16xf32>,
        %parallel_loop3A_189 = arith.addf %parallel_loop3A_185, %parallel_loop3A_188 : vector<16xf32>
        %parallel_loop3A_190 = arith.mulf %parallel_loop3A_189, %parallel_loop3A_189 : vector<16xf32>
        %parallel_loop3A_191 = arith.index_cast %parallel_loop3A_158 : i32 to index
        %parallel_loop3A_192 = arith.constant 64 : index
        %parallel_loop3A_193 = tpu.vector_load %arg12[%parallel_loop3A_191, %parallel_loop3A_192] {strides = array<i32>} : memref<128x128xf32, #tpu.memory_space<vmem>>, vector<16xf32>,
        %parallel_loop3A_194 = arith.index_cast %parallel_loop3A_158 : i32 to index
        %parallel_loop3A_195 = arith.constant 64 : index
        %parallel_loop3A_196 = tpu.vector_load %arg14[%parallel_loop3A_194, %parallel_loop3A_195] {strides = array<i32>} : memref<128x128xf32, #tpu.memory_space<vmem>>, vector<16xf32>,
        %parallel_loop3A_197 = arith.addf %parallel_loop3A_193, %parallel_loop3A_196 : vector<16xf32>
        %parallel_loop3A_198 = arith.mulf %parallel_loop3A_197, %parallel_loop3A_197 : vector<16xf32>
        %parallel_loop3A_199 = arith.index_cast %parallel_loop3A_158 : i32 to index
        %parallel_loop3A_200 = arith.constant 80 : index
        %parallel_loop3A_201 = tpu.vector_load %arg12[%parallel_loop3A_199, %parallel_loop3A_200] {strides = array<i32>} : memref<128x128xf32, #tpu.memory_space<vmem>>, vector<16xf32>,
        %parallel_loop3A_202 = arith.index_cast %parallel_loop3A_158 : i32 to index
        %parallel_loop3A_203 = arith.constant 80 : index
        %parallel_loop3A_204 = tpu.vector_load %arg14[%parallel_loop3A_202, %parallel_loop3A_203] {strides = array<i32>} : memref<128x128xf32, #tpu.memory_space<vmem>>, vector<16xf32>,
        %parallel_loop3A_205 = arith.addf %parallel_loop3A_201, %parallel_loop3A_204 : vector<16xf32>
        %parallel_loop3A_206 = arith.mulf %parallel_loop3A_205, %parallel_loop3A_205 : vector<16xf32>
        %parallel_loop3A_207 = arith.index_cast %parallel_loop3A_158 : i32 to index
        %parallel_loop3A_208 = arith.constant 96 : index
        %parallel_loop3A_209 = tpu.vector_load %arg12[%parallel_loop3A_207, %parallel_loop3A_208] {strides = array<i32>} : memref<128x128xf32, #tpu.memory_space<vmem>>, vector<16xf32>,
        %parallel_loop3A_210 = arith.index_cast %parallel_loop3A_158 : i32 to index
        %parallel_loop3A_211 = arith.constant 96 : index
        %parallel_loop3A_212 = tpu.vector_load %arg14[%parallel_loop3A_210, %parallel_loop3A_211] {strides = array<i32>} : memref<128x128xf32, #tpu.memory_space<vmem>>, vector<16xf32>,
        %parallel_loop3A_213 = arith.addf %parallel_loop3A_209, %parallel_loop3A_212 : vector<16xf32>
        %parallel_loop3A_214 = arith.mulf %parallel_loop3A_213, %parallel_loop3A_213 : vector<16xf32>
        %parallel_loop3A_215 = arith.index_cast %parallel_loop3A_158 : i32 to index
        %parallel_loop3A_216 = arith.constant 112 : index
        %parallel_loop3A_217 = tpu.vector_load %arg12[%parallel_loop3A_215, %parallel_loop3A_216] {strides = array<i32>} : memref<128x128xf32, #tpu.memory_space<vmem>>, vector<16xf32>,
        %parallel_loop3A_218 = arith.index_cast %parallel_loop3A_158 : i32 to index
        %parallel_loop3A_219 = arith.constant 112 : index
        %parallel_loop3A_220 = tpu.vector_load %arg14[%parallel_loop3A_218, %parallel_loop3A_219] {strides = array<i32>} : memref<128x128xf32, #tpu.memory_space<vmem>>, vector<16xf32>,
        %parallel_loop3A_221 = arith.addf %parallel_loop3A_217, %parallel_loop3A_220 : vector<16xf32>
        %parallel_loop3A_222 = arith.mulf %parallel_loop3A_221, %parallel_loop3A_221 : vector<16xf32>
        %parallel_loop3A_223 = arith.addf %parallel_loop3A_165, %parallel_loop3A_173 : vector<16xf32>
        %parallel_loop3A_224 = arith.addf %parallel_loop3A_181, %parallel_loop3A_189 : vector<16xf32>
        %parallel_loop3A_225 = arith.addf %parallel_loop3A_197, %parallel_loop3A_205 : vector<16xf32>
        %parallel_loop3A_226 = arith.addf %parallel_loop3A_213, %parallel_loop3A_221 : vector<16xf32>
        %parallel_loop3A_227 = arith.addf %parallel_loop3A_223, %parallel_loop3A_224 : vector<16xf32>
        %parallel_loop3A_228 = arith.addf %parallel_loop3A_225, %parallel_loop3A_226 : vector<16xf32>
        %parallel_loop3A_229 = arith.addf %parallel_loop3A_227, %parallel_loop3A_228 : vector<16xf32>
        %parallel_loop3A_230 = arith.addf %parallel_loop3A_166, %parallel_loop3A_174 : vector<16xf32>
        %parallel_loop3A_231 = arith.addf %parallel_loop3A_182, %parallel_loop3A_190 : vector<16xf32>
        %parallel_loop3A_232 = arith.addf %parallel_loop3A_198, %parallel_loop3A_206 : vector<16xf32>
        %parallel_loop3A_233 = arith.addf %parallel_loop3A_214, %parallel_loop3A_222 : vector<16xf32>
        %parallel_loop3A_234 = arith.addf %parallel_loop3A_230, %parallel_loop3A_231 : vector<16xf32>
        %parallel_loop3A_235 = arith.addf %parallel_loop3A_232, %parallel_loop3A_233 : vector<16xf32>
        %parallel_loop3A_236 = arith.addf %parallel_loop3A_234, %parallel_loop3A_235 : vector<16xf32>
        %parallel_loop3A_237 = arith.constant true
        %parallel_loop3A_238 = vector.broadcast %parallel_loop3A_237 : i1 to vector<16xi1>
        %parallel_loop3A_239 = tpu.scan <sum>, %parallel_loop3A_229 masked %parallel_loop3A_238 : vector<16xf32>, vector<16xi1> -> vector<16xf32>
        %parallel_loop3A_240 = arith.constant 0 : i32
        %parallel_loop3A_241 = vector.broadcast %parallel_loop3A_240 : i32 to vector<16xi32>
        %parallel_loop3A_242 = arith.cmpi slt, %broadcast_in_dim3A_45, %parallel_loop3A_241 : vector<16xi32>
        %parallel_loop3A_243 = arith.constant 16 : i32
        %parallel_loop3A_244 = vector.broadcast %parallel_loop3A_243 : i32 to vector<16xi32>
        %parallel_loop3A_245 = arith.addi %broadcast_in_dim3A_45, %parallel_loop3A_244 : vector<16xi32>
        %parallel_loop3A_246 = arith.select %parallel_loop3A_242, %parallel_loop3A_245, %broadcast_in_dim3A_45 : vector<16xi1>, vector<16xi32>
        %parallel_loop3A_247 = vector.shape_cast %parallel_loop3A_246 : vector<16xi32> to vector<16x1xi32>
        %parallel_loop3A_248 = vector.shape_cast %parallel_loop3A_247 : vector<16x1xi32> to vector<16xi32>
        %parallel_loop3A_249 = tpu.dynamic_gather %parallel_loop3A_239[%parallel_loop3A_248] in [0] : vector<16xf32>, vector<16xi32> -> vector<16xf32>
        %parallel_loop3A_250 = vector.broadcast %scan3A_59 : f32 to vector<16xf32>
        %parallel_loop3A_251 = arith.mulf %parallel_loop3A_249, %parallel_loop3A_250 : vector<16xf32>
        %parallel_loop3A_252 = arith.constant true
        %parallel_loop3A_253 = vector.broadcast %parallel_loop3A_252 : i1 to vector<16xi1>
        %parallel_loop3A_254 = tpu.scan <sum>, %parallel_loop3A_236 masked %parallel_loop3A_253 : vector<16xf32>, vector<16xi1> -> vector<16xf32>
        %parallel_loop3A_255 = arith.constant 0 : i32
        %parallel_loop3A_256 = vector.broadcast %parallel_loop3A_255 : i32 to vector<16xi32>
        %parallel_loop3A_257 = arith.cmpi slt, %broadcast_in_dim3A_45, %parallel_loop3A_256 : vector<16xi32>
        %parallel_loop3A_258 = arith.constant 16 : i32
        %parallel_loop3A_259 = vector.broadcast %parallel_loop3A_258 : i32 to vector<16xi32>
        %parallel_loop3A_260 = arith.addi %broadcast_in_dim3A_45, %parallel_loop3A_259 : vector<16xi32>
        %parallel_loop3A_261 = arith.select %parallel_loop3A_257, %parallel_loop3A_260, %broadcast_in_dim3A_45 : vector<16xi1>, vector<16xi32>
        %parallel_loop3A_262 = vector.shape_cast %parallel_loop3A_261 : vector<16xi32> to vector<16x1xi32>
        %parallel_loop3A_263 = vector.shape_cast %parallel_loop3A_262 : vector<16x1xi32> to vector<16xi32>
        %parallel_loop3A_264 = tpu.dynamic_gather %parallel_loop3A_254[%parallel_loop3A_263] in [0] : vector<16xf32>, vector<16xi32> -> vector<16xf32>
        %parallel_loop3A_265 = vector.broadcast %scan3A_59 : f32 to vector<16xf32>
        %parallel_loop3A_266 = arith.mulf %parallel_loop3A_264, %parallel_loop3A_265 : vector<16xf32>
        %parallel_loop3A_267 = arith.mulf %parallel_loop3A_251, %parallel_loop3A_251 : vector<16xf32>
        %parallel_loop3A_268 = arith.subf %parallel_loop3A_266, %parallel_loop3A_267 : vector<16xf32>
        %parallel_loop3A_269 = arith.constant 9.99999997E-7 : f32
        %parallel_loop3A_270 = vector.broadcast %parallel_loop3A_269 : f32 to vector<16xf32>
        %parallel_loop3A_271 = arith.addf %parallel_loop3A_268, %parallel_loop3A_270 : vector<16xf32>
        %parallel_loop3A_272 = tpu.bitcast %parallel_loop3A_271 : vector<16xf32> -> vector<16xi32>
        %parallel_loop3A_273 = arith.constant 1 : i32
        %parallel_loop3A_274 = vector.broadcast %parallel_loop3A_273 : i32 to vector<16xi32>
        %parallel_loop3A_275 = arith.shrui %parallel_loop3A_272, %parallel_loop3A_274 : vector<16xi32>
        %parallel_loop3A_276 = arith.constant 1597463007 : i32
        %parallel_loop3A_277 = vector.broadcast %parallel_loop3A_276 : i32 to vector<16xi32>
        %parallel_loop3A_278 = arith.subi %parallel_loop3A_277, %parallel_loop3A_275 : vector<16xi32>
        %parallel_loop3A_279 = tpu.bitcast %parallel_loop3A_278 : vector<16xi32> -> vector<16xf32>
        %parallel_loop3A_280 = arith.constant 5.000000e-01 : f32
        %parallel_loop3A_281 = vector.broadcast %parallel_loop3A_280 : f32 to vector<16xf32>
        %parallel_loop3A_282 = arith.mulf %parallel_loop3A_281, %parallel_loop3A_271 : vector<16xf32>
        %parallel_loop3A_283 = arith.mulf %parallel_loop3A_282, %parallel_loop3A_279 : vector<16xf32>
        %parallel_loop3A_284 = arith.mulf %parallel_loop3A_283, %parallel_loop3A_279 : vector<16xf32>
        %parallel_loop3A_285 = arith.constant 1.500000e+00 : f32
        %parallel_loop3A_286 = vector.broadcast %parallel_loop3A_285 : f32 to vector<16xf32>
        %parallel_loop3A_287 = arith.subf %parallel_loop3A_286, %parallel_loop3A_284 : vector<16xf32>
        %parallel_loop3A_288 = arith.mulf %parallel_loop3A_279, %parallel_loop3A_287 : vector<16xf32>
        %parallel_loop3A_289 = arith.constant 5.000000e-01 : f32
        %parallel_loop3A_290 = vector.broadcast %parallel_loop3A_289 : f32 to vector<16xf32>
        %parallel_loop3A_291 = arith.mulf %parallel_loop3A_290, %parallel_loop3A_271 : vector<16xf32>
        %parallel_loop3A_292 = arith.mulf %parallel_loop3A_291, %parallel_loop3A_288 : vector<16xf32>
        %parallel_loop3A_293 = arith.mulf %parallel_loop3A_292, %parallel_loop3A_288 : vector<16xf32>
        %parallel_loop3A_294 = arith.constant 1.500000e+00 : f32
        %parallel_loop3A_295 = vector.broadcast %parallel_loop3A_294 : f32 to vector<16xf32>
        %parallel_loop3A_296 = arith.subf %parallel_loop3A_295, %parallel_loop3A_293 : vector<16xf32>
        %parallel_loop3A_297 = arith.mulf %parallel_loop3A_288, %parallel_loop3A_296 : vector<16xf32>
        %parallel_loop3A_298 = arith.subf %parallel_loop3A_165, %parallel_loop3A_251 : vector<16xf32>
        %parallel_loop3A_299 = arith.subf %parallel_loop3A_173, %parallel_loop3A_251 : vector<16xf32>
        %parallel_loop3A_300 = arith.mulf %parallel_loop3A_298, %parallel_loop3A_297 : vector<16xf32>
        %parallel_loop3A_301 = arith.mulf %parallel_loop3A_299, %parallel_loop3A_297 : vector<16xf32>
        %parallel_loop3A_302 = tpu.pack_subelements %parallel_loop3A_300, %parallel_loop3A_301 {pack_format = #tpu.pack_format<interleaved>, positions = array<i32: 0, 1>} : vector<16xf32>, vector<16xf32> -> vector<32xbf16>
        %parallel_loop3A_303 = arith.mulf %parallel_loop3A_302, %pack3A : vector<32xbf16>
        %parallel_loop3A_304 = arith.addf %parallel_loop3A_303, %pack3A_41 : vector<32xbf16>
        %parallel_loop3A_305 = tpu.unpack_subelements %parallel_loop3A_304, 0 {pack_format = #tpu.pack_format<interleaved>} : vector<32xbf16> -> vector<16xf32>
        %parallel_loop3A_306 = tpu.unpack_subelements %parallel_loop3A_304, 1 {pack_format = #tpu.pack_format<interleaved>} : vector<32xbf16> -> vector<16xf32>
        %parallel_loop3A_307 = arith.index_cast %parallel_loop3A_158 : i32 to index
        %parallel_loop3A_308 = arith.constant 0 : index
        %parallel_loop3A_309 = tpu.vector_load %arg16[%parallel_loop3A_307, %parallel_loop3A_308] {strides = array<i32>} : memref<128x128xf32, #tpu.memory_space<vmem>>, vector<16xf32>,
        tpu.vector_store %arg16[%parallel_loop3A_307, %parallel_loop3A_308], %parallel_loop3A_305 {strides = array<i32>} : memref<128x128xf32, #tpu.memory_space<vmem>>, vector<16xf32>,
        %parallel_loop3A_310 = arith.index_cast %parallel_loop3A_158 : i32 to index
        %parallel_loop3A_311 = arith.constant 16 : index
        %parallel_loop3A_312 = tpu.vector_load %arg16[%parallel_loop3A_310, %parallel_loop3A_311] {strides = array<i32>} : memref<128x128xf32, #tpu.memory_space<vmem>>, vector<16xf32>,
        tpu.vector_store %arg16[%parallel_loop3A_310, %parallel_loop3A_311], %parallel_loop3A_306 {strides = array<i32>} : memref<128x128xf32, #tpu.memory_space<vmem>>, vector<16xf32>,
        %parallel_loop3A_313 = arith.subf %parallel_loop3A_181, %parallel_loop3A_251 : vector<16xf32>
        %parallel_loop3A_314 = arith.subf %parallel_loop3A_189, %parallel_loop3A_251 : vector<16xf32>
        %parallel_loop3A_315 = arith.mulf %parallel_loop3A_313, %parallel_loop3A_297 : vector<16xf32>
        %parallel_loop3A_316 = arith.mulf %parallel_loop3A_314, %parallel_loop3A_297 : vector<16xf32>
        %parallel_loop3A_317 = tpu.pack_subelements %parallel_loop3A_315, %parallel_loop3A_316 {pack_format = #tpu.pack_format<interleaved>, positions = array<i32: 0, 1>} : vector<16xf32>, vector<16xf32> -> vector<32xbf16>
        %parallel_loop3A_318 = arith.mulf %parallel_loop3A_317, %pack3A_38 : vector<32xbf16>
        %parallel_loop3A_319 = arith.addf %parallel_loop3A_318, %pack3A_42 : vector<32xbf16>
        %parallel_loop3A_320 = tpu.unpack_subelements %parallel_loop3A_319, 0 {pack_format = #tpu.pack_format<interleaved>} : vector<32xbf16> -> vector<16xf32>
        %parallel_loop3A_321 = tpu.unpack_subelements %parallel_loop3A_319, 1 {pack_format = #tpu.pack_format<interleaved>} : vector<32xbf16> -> vector<16xf32>
        %parallel_loop3A_322 = arith.index_cast %parallel_loop3A_158 : i32 to index
        %parallel_loop3A_323 = arith.constant 32 : index
        %parallel_loop3A_324 = tpu.vector_load %arg16[%parallel_loop3A_322, %parallel_loop3A_323] {strides = array<i32>} : memref<128x128xf32, #tpu.memory_space<vmem>>, vector<16xf32>,
        tpu.vector_store %arg16[%parallel_loop3A_322, %parallel_loop3A_323], %parallel_loop3A_320 {strides = array<i32>} : memref<128x128xf32, #tpu.memory_space<vmem>>, vector<16xf32>,
        %parallel_loop3A_325 = arith.index_cast %parallel_loop3A_158 : i32 to index
        %parallel_loop3A_326 = arith.constant 48 : index
        %parallel_loop3A_327 = tpu.vector_load %arg16[%parallel_loop3A_325, %parallel_loop3A_326] {strides = array<i32>} : memref<128x128xf32, #tpu.memory_space<vmem>>, vector<16xf32>,
        tpu.vector_store %arg16[%parallel_loop3A_325, %parallel_loop3A_326], %parallel_loop3A_321 {strides = array<i32>} : memref<128x128xf32, #tpu.memory_space<vmem>>, vector<16xf32>,
        %parallel_loop3A_328 = arith.subf %parallel_loop3A_197, %parallel_loop3A_251 : vector<16xf32>
        %parallel_loop3A_329 = arith.subf %parallel_loop3A_205, %parallel_loop3A_251 : vector<16xf32>
        %parallel_loop3A_330 = arith.mulf %parallel_loop3A_328, %parallel_loop3A_297 : vector<16xf32>
        %parallel_loop3A_331 = arith.mulf %parallel_loop3A_329, %parallel_loop3A_297 : vector<16xf32>
        %parallel_loop3A_332 = tpu.pack_subelements %parallel_loop3A_330, %parallel_loop3A_331 {pack_format = #tpu.pack_format<interleaved>, positions = array<i32: 0, 1>} : vector<16xf32>, vector<16xf32> -> vector<32xbf16>
        %parallel_loop3A_333 = arith.mulf %parallel_loop3A_332, %pack3A_39 : vector<32xbf16>
        %parallel_loop3A_334 = arith.addf %parallel_loop3A_333, %pack3A_43 : vector<32xbf16>
        %parallel_loop3A_335 = tpu.unpack_subelements %parallel_loop3A_334, 0 {pack_format = #tpu.pack_format<interleaved>} : vector<32xbf16> -> vector<16xf32>
        %parallel_loop3A_336 = tpu.unpack_subelements %parallel_loop3A_334, 1 {pack_format = #tpu.pack_format<interleaved>} : vector<32xbf16> -> vector<16xf32>
        %parallel_loop3A_337 = arith.index_cast %parallel_loop3A_158 : i32 to index
        %parallel_loop3A_338 = arith.constant 64 : index
        %parallel_loop3A_339 = tpu.vector_load %arg16[%parallel_loop3A_337, %parallel_loop3A_338] {strides = array<i32>} : memref<128x128xf32, #tpu.memory_space<vmem>>, vector<16xf32>,
        tpu.vector_store %arg16[%parallel_loop3A_337, %parallel_loop3A_338], %parallel_loop3A_335 {strides = array<i32>} : memref<128x128xf32, #tpu.memory_space<vmem>>, vector<16xf32>,
        %parallel_loop3A_340 = arith.index_cast %parallel_loop3A_158 : i32 to index
        %parallel_loop3A_341 = arith.constant 80 : index
        %parallel_loop3A_342 = tpu.vector_load %arg16[%parallel_loop3A_340, %parallel_loop3A_341] {strides = array<i32>} : memref<128x128xf32, #tpu.memory_space<vmem>>, vector<16xf32>,
        tpu.vector_store %arg16[%parallel_loop3A_340, %parallel_loop3A_341], %parallel_loop3A_336 {strides = array<i32>} : memref<128x128xf32, #tpu.memory_space<vmem>>, vector<16xf32>,
        %parallel_loop3A_343 = arith.subf %parallel_loop3A_213, %parallel_loop3A_251 : vector<16xf32>
        %parallel_loop3A_344 = arith.subf %parallel_loop3A_221, %parallel_loop3A_251 : vector<16xf32>
        %parallel_loop3A_345 = arith.mulf %parallel_loop3A_343, %parallel_loop3A_297 : vector<16xf32>
        %parallel_loop3A_346 = arith.mulf %parallel_loop3A_344, %parallel_loop3A_297 : vector<16xf32>
        %parallel_loop3A_347 = tpu.pack_subelements %parallel_loop3A_345, %parallel_loop3A_346 {pack_format = #tpu.pack_format<interleaved>, positions = array<i32: 0, 1>} : vector<16xf32>, vector<16xf32> -> vector<32xbf16>
        %parallel_loop3A_348 = arith.mulf %parallel_loop3A_347, %pack3A_40 : vector<32xbf16>
        %parallel_loop3A_349 = arith.addf %parallel_loop3A_348, %pack3A_44 : vector<32xbf16>
        %parallel_loop3A_350 = tpu.unpack_subelements %parallel_loop3A_349, 0 {pack_format = #tpu.pack_format<interleaved>} : vector<32xbf16> -> vector<16xf32>
        %parallel_loop3A_351 = tpu.unpack_subelements %parallel_loop3A_349, 1 {pack_format = #tpu.pack_format<interleaved>} : vector<32xbf16> -> vector<16xf32>
        %parallel_loop3A_352 = arith.index_cast %parallel_loop3A_158 : i32 to index
        %parallel_loop3A_353 = arith.constant 96 : index
        %parallel_loop3A_354 = tpu.vector_load %arg16[%parallel_loop3A_352, %parallel_loop3A_353] {strides = array<i32>} : memref<128x128xf32, #tpu.memory_space<vmem>>, vector<16xf32>,
        tpu.vector_store %arg16[%parallel_loop3A_352, %parallel_loop3A_353], %parallel_loop3A_350 {strides = array<i32>} : memref<128x128xf32, #tpu.memory_space<vmem>>, vector<16xf32>,
        %parallel_loop3A_355 = arith.index_cast %parallel_loop3A_158 : i32 to index
        %parallel_loop3A_356 = arith.constant 112 : index
        %parallel_loop3A_357 = tpu.vector_load %arg16[%parallel_loop3A_355, %parallel_loop3A_356] {strides = array<i32>} : memref<128x128xf32, #tpu.memory_space<vmem>>, vector<16xf32>,
        tpu.vector_store %arg16[%parallel_loop3A_355, %parallel_loop3A_356], %parallel_loop3A_351 {strides = array<i32>} : memref<128x128xf32, #tpu.memory_space<vmem>>, vector<16xf32>,
      } {sc.loop_unroll_factor = 4 : i64, sc.parallel_access}
      %dma_start3A_154 = arith.constant 0 : i32
      %dma_start3A_155 = tpu.memref_slice %arg8[%multiple_of3A_129, %dma_start3A_154] : memref<204800x128xf32, #tpu.memory_space<hbm>> -> memref<128x128xf32, #tpu.memory_space<hbm>>
      %dma_start3A_156 = arith.constant 0 : i32
      %dma_start3A_157 = tpu.memref_slice %arg8[%multiple_of3A_129, %dma_start3A_156] : memref<204800x128xf32, #tpu.memory_space<hbm>> -> memref<128x128xf32, #tpu.memory_space<hbm>>
      tpu.enqueue_dma source(%arg16 : memref<128x128xf32, #tpu.memory_space<vmem>>) target(%dma_start3A_157 : memref<128x128xf32, #tpu.memory_space<hbm>>) target_semaphore(%arg25 : memref<!tpu.dma_semaphore, #tpu.memory_space<semaphore_mem>>)
    }
    %scan3A_64 = arith.constant 25 : i32
    %add3A_65 = arith.constant 6144 : i32
    %add3A_66 = arith.addi %mul3A_2, %add3A_65 : i32
    %multiple_of3A = tpu.assume_multiple %add3A_66, 128 : i32
    %dma_wait3A = arith.constant 0 : i32
    %dma_wait3A_67 = tpu.memref_slice %arg8[%multiple_of3A, %dma_wait3A] : memref<204800x128xf32, #tpu.memory_space<hbm>> -> memref<128x128xf32, #tpu.memory_space<hbm>>
    %dma_wait3A_68 = arith.constant 0 : i32
    %dma_wait3A_69 = tpu.memref_slice %arg8[%multiple_of3A, %dma_wait3A_68] : memref<204800x128xf32, #tpu.memory_space<hbm>> -> memref<128x128xf32, #tpu.memory_space<hbm>>
    tpu.wait_dma2 semaphore(%arg24 : memref<!tpu.dma_semaphore, #tpu.memory_space<semaphore_mem>>) src(%arg15 : memref<128x128xf32, #tpu.memory_space<vmem>>) dst(%dma_wait3A_69 : memref<128x128xf32, #tpu.memory_space<hbm>>)
    %add3A_70 = arith.constant 6272 : i32
    %add3A_71 = arith.addi %mul3A_2, %add3A_70 : i32
    %multiple_of3A_72 = tpu.assume_multiple %add3A_71, 128 : i32
    %dma_wait3A_73 = arith.constant 0 : i32
    %dma_wait3A_74 = tpu.memref_slice %arg8[%multiple_of3A_72, %dma_wait3A_73] : memref<204800x128xf32, #tpu.memory_space<hbm>> -> memref<128x128xf32, #tpu.memory_space<hbm>>
    %dma_wait3A_75 = arith.constant 0 : i32
    %dma_wait3A_76 = tpu.memref_slice %arg8[%multiple_of3A_72, %dma_wait3A_75] : memref<204800x128xf32, #tpu.memory_space<hbm>> -> memref<128x128xf32, #tpu.memory_space<hbm>>
    tpu.wait_dma2 semaphore(%arg25 : memref<!tpu.dma_semaphore, #tpu.memory_space<semaphore_mem>>) src(%arg16 : memref<128x128xf32, #tpu.memory_space<vmem>>) dst(%dma_wait3A_76 : memref<128x128xf32, #tpu.memory_space<hbm>>)
    return
  }
}

</mosaic_0001>

<sc_bundles>
// kernel: kernel.3.cloned.1.call-start
scs
__scs_entry_jumppad:
0x0: {  	(pc) =	sbr.rel $0x88, $3  }
0x1: {  	(tag) =	ssettag $0x0;
	lr =	simm.s32 $0x1  }
0x2: {  	[smem:$0x3F9A] =	sst lr;
	_ =	strace $0xD0000000  }
0x3: {  	_ = 	snop  }
0x4: {  	_ = 	snop  }
0x5: {  	_ = 	snop  }
0x6: {  	_ = 	snop  }
0x7: {  	_ = 	snop  }
__scs_overlays_trampoline_lowered:
0x8: {  	[smem:$0x3FA9] =	sst s0  }
0x9: {  	[smem:$0x3FAA] =	sst s1  }
0xa: {  	[smem:$0x3FAB] =	sst s2  }
0xb: {  	[smem:$0x3FAC] =	sst s3  }
0xc: {  	[smem:$0x3FAD] =	sst s4  }
0xd: {  	[smem:$0x3FAE] =	sst s5  }
0xe: {  	[smem:$0x3FAF] =	sst s6  }
0xf: {  	[smem:$0x3FB0] =	sst s7  }
0x10: {  	[smem:$0x3FB1] =	sst s8  }
0x11: {  	[smem:$0x3FB2] =	sst s9;
	s0 =	simm.s32 @!p0 $0x0  }
0x12: {  	s1 =	sld [smem:$0x3F98];
	s0 =	simm.s32 @p0 $0x1  }
0x13: {  	[smem:$0x3FB3] =	sst s0;
	s0 =	simm.s32 @!p1 $0x0  }
0x14: {  	s2 =	sld [smem:$0x3F97];
	s0 =	simm.s32 @p1 $0x1  }
0x15: {  	[smem:$0x3FB4] =	sst s0;
	s0 =	simm.s32 @!p2 $0x0  }
0x16: {  	s3 =	sld [smem:$0x3FDB];
	s0 =	simm.s32 @p2 $0x1  }
0x17: {  	s4 =	simm.s32 $0x1BF5;
	[smem:$0x3FB6] =	sst s0  }
0x18: {  	s0 =	sld [smem:$0x3F99];
	_ =	swait.ge [sflag:s4], $0x0  }
0x19: {  	s7 =	sld [smem:$0x3F9A]  }
0x1a: {  	s8 =	sadd.s32 $0xFFFFE003, lr  }
0x1b: {  	s9 =	sadd.s32 $0xFFFFFEF7, lr;
	s5 =	simm.s32 $0xFFFFFFFF;
	p2 =	slt.u32 s8, $0xFFFFF086  }
0x1c: {  	p1 =	slt.u32 s9, $0xF7A;
	s5 =	simm.s32 @!p2 $0x0  }
0x1d: {  	s5 =	simm.s32 @p1 $0x1;
	p0 =	seq.s32 s7, s2  }
0x1e: {  	s7 =	smul.u32 @!p0 $0xF7A, s2;
	p2 =	seq.s32 @!p0 s5, $0x0  }
0x1f: {  	s9 =	smul.u32 $0xF7A, s1;
	s8 =	simm.s32 @!p0 $0x1BF5;
	p2 =	por !p2, p0  }
0x20: {  	[sflag:s8] =	ssyncset.s32 @!p0 $0xFFFFF086;
	s6 =	sadd.s32 @!p0 s3, s7;
	s7 =	simm.s32 @!p0 $0x108  }
0x21: {  	s3 =	sadd.s32 s3, s9;
	s6 =	sadd.s32 @!p0 $0x88, s6;
	s7 =	simm.s32 @p2 $0x1082  }
0x22: {  	[simem:s7], [sflag:s8] =	dma.local @!p0 [hbm:s6], $0xF7A  }
0x23: {  	s9 =	sor.u32 $0xD0000000, s2;
	s6 =	simm.s32 $0x108;
	_ =	swait.ge @!p0 [sflag:s8], $0x0  }
0x24: {  	s3 =	sadd.s32 $0x88, s3;
	s6 =	simm.s32 @!p1 $0x1082;
	[sflag:s4] =	ssyncset.s32 $0xFFFFF086  }
0x25: {  	[simem:s6], [sflag:s4] =	dma.local [hbm:s3], $0xF7A  }
0x26: {  	[smem:$0x3F9A] =	sst s1;
	(tag) =	ssettag s2;
	_ =	strace s9  }
0x27: {  	s1 =	sld [smem:$0x3FAA]  }
0x28: {  	s2 =	sld [smem:$0x3FAB]  }
0x29: {  	s4 =	sld [smem:$0x3FAD]  }
0x2a: {  	p0 =	seq.s32 s5, $0x0;
	s5 =	sld [smem:$0x3FAE]  }
0x2b: {  	s6 =	sld [smem:$0x3FAF]  }
0x2c: {  	s7 =	sld [smem:$0x3FB0]  }
0x2d: {  	s3 =	simm.s32 $0x108;
	s8 =	sld [smem:$0x3FB1]  }
0x2e: {  	s3 =	simm.s32 @!p0 $0x1082;
	s9 =	sld [smem:$0x3FB2]  }
0x2f: {  	lr =	sadd.s32 s0, s3;
	s0 =	sld [smem:$0x3FA9]  }
0x30: {  	s3 =	sld [smem:$0x3FAC]  }
0x31: {  	[smem:$0x3FB5] =	sst s10  }
0x32: {  	s10 =	sld [smem:$0x3FB3];
	_ =	sdelay $0x3  }
0x33: {  	p0 =	seq.s32 s10, $0x1;
	s10 =	sld [smem:$0x3FB5];
	_ =	sdelay $0x3  }
0x34: {  	[smem:$0x3FB5] =	sst s10  }
0x35: {  	s10 =	sld [smem:$0x3FB4];
	_ =	sdelay $0x3  }
0x36: {  	p1 =	seq.s32 s10, $0x1;
	s10 =	sld [smem:$0x3FB5];
	_ =	sdelay $0x3  }
0x37: {  	[smem:$0x3FB5] =	sst s10  }
0x38: {  	s10 =	sld [smem:$0x3FB6]  }
0x39: {  	_ = 	snop;
	(pc) =	sbr.ind lr, $3  }
0x3a: {  	_ = 	snop  }
0x3b: {  	_ = 	snop  }
0x3c: {  	p2 =	seq.s32 s10, $0x1;
	s10 =	sld [smem:$0x3FB5]  }
0x3d: {  	_ =	shalt  }
0x3e: {  	_ =	shalt  }
0x3f: {  	_ =	shalt  }
0x40: {  	_ =	shalt  }
0x41: {  	_ =	shalt  }
0x42: {  	_ =	shalt  }
0x43: {  	_ =	shalt  }
0x44: {  	_ =	shalt  }
0x45: {  	_ =	shalt  }
0x46: {  	_ =	shalt  }
0x47: {  	_ =	shalt  }
0x48: {  	_ =	shalt  }
0x49: {  	_ =	shalt  }
0x4a: {  	_ =	shalt  }
0x4b: {  	_ =	shalt  }
0x4c: {  	_ =	shalt  }
0x4d: {  	_ =	shalt  }
0x4e: {  	_ =	shalt  }
0x4f: {  	_ =	shalt  }
0x50: {  	_ =	shalt  }
0x51: {  	_ =	shalt  }
0x52: {  	_ =	shalt  }
0x53: {  	_ =	shalt  }
0x54: {  	_ =	shalt  }
0x55: {  	_ =	shalt  }
0x56: {  	_ =	shalt  }
0x57: {  	_ =	shalt  }
0x58: {  	_ =	shalt  }
0x59: {  	_ =	shalt  }
0x5a: {  	_ =	shalt  }
0x5b: {  	_ =	shalt  }
0x5c: {  	_ =	shalt  }
0x5d: {  	_ =	shalt  }
0x5e: {  	_ =	shalt  }
0x5f: {  	_ =	shalt  }
0x60: {  	_ =	shalt  }
0x61: {  	_ =	shalt  }
0x62: {  	_ =	shalt  }
0x63: {  	_ =	shalt  }
0x64: {  	_ =	shalt  }
0x65: {  	_ =	shalt  }
0x66: {  	_ =	shalt  }
0x67: {  	_ =	shalt  }
0x68: {  	_ =	shalt  }
0x69: {  	_ =	shalt  }
0x6a: {  	_ =	shalt  }
0x6b: {  	_ =	shalt  }
0x6c: {  	_ =	shalt  }
0x6d: {  	_ =	shalt  }
0x6e: {  	_ =	shalt  }
0x6f: {  	_ =	shalt  }
0x70: {  	_ =	shalt  }
0x71: {  	_ =	shalt  }
0x72: {  	_ =	shalt  }
0x73: {  	_ =	shalt  }
0x74: {  	_ =	shalt  }
0x75: {  	_ =	shalt  }
0x76: {  	_ =	shalt  }
0x77: {  	_ =	shalt  }
0x78: {  	_ =	shalt  }
0x79: {  	_ =	shalt  }
0x7a: {  	_ =	shalt  }
0x7b: {  	_ =	shalt  }
0x7c: {  	_ =	shalt  }
0x7d: {  	_ =	shalt  }
0x7e: {  	_ =	shalt  }
0x7f: {  	_ =	shalt  }
0x80: {  	_ =	shalt  }
0x81: {  	_ =	shalt  }
0x82: {  	_ =	shalt  }
0x83: {  	_ =	shalt  }
0x84: {  	_ =	shalt  }
0x85: {  	_ =	shalt  }
0x86: {  	_ =	shalt  }
0x87: {  	_ =	shalt  }
.Lfunc_end0:
.L_simem_size_0:
called_computation_lowered:
.L_overlay_start_0:
0x88: {  	s2 =	sld [smem:$0x3FD9]  }
0x89: {  	s3 =	sld [smem:$0x3FFE];
	_ =	sdelay $0x1  }
0x8a: {  	s1 =	srdreg.scid  }
0x8b: {  	s0 =	sand.u32 $0x1, s1  }
0x8c: {  	s17 =	sshll.u32 s0, $0xA;
	s2 =	sadd.s32 s3, s2  }
0x8d: {  	s2 =	sadd.s32 s2, s17  }
0x8e: {  	[smem:$0x3FC1] =	sst s2  }
0x8f: {  	_ = 	snop  }
0x90: {  	s2 =	sld [smem:$0x3FC7]  }
0x91: {  	s18 =	sld [smem:$0x3FC4]  }
0x92: {  	s4 =	sld [smem:$0x3FC3]  }
0x93: {  	s5 =	sld [smem:$0x3FD0];
	(tm) =	ssettm $0x1  }
0x94: {  	s6 =	sld [smem:$0x3FFB];
	_ =	sdelay $0x3  }
0x95: {  	_ =	strace s6  }
0x96: {  	s6 =	sld [smem:$0x3FFC];
	_ =	sdelay $0x3  }
0x97: {  	_ =	strace s6  }
0x98: {  	s6 =	sld [smem:$0x3FFD];
	_ =	sdelay $0x3  }
0x99: {  	_ =	strace s6  }
0x9a: {  	_ =	strace $0x8FFFFFFF  }
0x9b: {  	s19 =	sld [smem:$0x3FDB];
	_ =	sdelay $0x1  }
0x9c: {  	s7 =	simm.s32 $_scs_section_size  }
0x9d: {  	s8 =	simm.s32 $_size__tile_overlayer_lowered;
	s9 =	simm.s32 $_tile_overlayer_lowered  }
0x9e: {  	s22 =	simm.s32 $0x1BFF;
	s21 =	sshll.u32 s9, $0x1;
	s6 =	sadd.s32 s7, s19  }
0x9f: {  	s10 =	simm.s32 $0x0;
	s20 =	sshll.u32 s8, $0x1;
	s8 =	sadd.s32 s21, s6  }
0xa0: {  	[timem:s10], [sflag:s22] =	dma.local [hbm:s8], s20  }
0xa1: {  	_ =	swait.ge [sflag:s22], s20  }
0xa2: {  	s7 =	ssub.s32 $0x0, s20;
	[sflag:s22] =	ssyncset.done $0x0  }
0xa3: {  	[sflag:s22] =	ssyncadd.s32 s7;
	_ =	sdelay $0x1  }
0xa4: {  	s23 =	simm.s32 $0x1B8B  }
0xa5: {  	_ =	swait.ge [sflag:s23], $0x1  }
0xa6: {  	[sflag:s23] =	ssyncset.done $0x0  }
0xa7: {  	s25 =	simm.s32 $0x1B8E;
	s24 =	sld [smem:$0x3FFE];
	[sflag:s23] =	ssyncadd.s32 $0xFFFFFFFF  }
0xa8: {  	s26 =	simm.s32 $execute0_lowered;
	[smem:$0x3FD2] =	sst s25  }
0xa9: {  	s8 =	sshll.u32 s26, $0x1;
	_ =	strace $0x80000046;
	[dreg:$0x1] =	wrdreg $0xFFFFFFFF  }
0xaa: {  	s28 =	simm.s32 $_size_execute0_lowered;
	s6 =	sadd.s32 s6, s8;
	[dreg:$0x0] =	wrdreg $0x0  }
0xab: {  	s8 =	sshll.u32 s28, $0x1;
	[dreg:$0x2] =	wrdreg s6  }
0xac: {  	[dreg:$0x3] =	wrdreg s8  }
0xad: {  	[dreg:$0x4] =	wrdreg $0xC0  }
0xae: {  	_ =	task [dreg:s10], $0x5FFFF  }
0xaf: {  	[dreg:$0x1] =	wrdreg $0xFFFFFFFF  }
0xb0: {  	[dreg:$0x0] =	wrdreg $0x60  }
0xb1: {  	[dreg:$0x2] =	wrdreg s24  }
0xb2: {  	[dreg:$0x3] =	wrdreg s2  }
0xb3: {  	[dreg:$0x4] =	wrdreg s18  }
0xb4: {  	[dreg:$0x5] =	wrdreg s4  }
0xb5: {  	[dreg:$0x6] =	wrdreg s5  }
0xb6: {  	[dreg:$0x7] =	wrdreg $0x1B9000  }
0xb7: {  	[dreg:$0x8] =	wrdreg $0x9  }
0xb8: {  	_ =	task.clear_ibuf [dreg:s10], $0x9FFFF;
	_ =	strace $0x90000046  }
0xb9: {  	s29 =	simm.s32 $0x9;
	_ =	strace $0x80000048  }
0xba: {  	_ =	swait.ge [sflag:s29], $0x1  }
0xbb: {  	[sflag:s29] =	ssyncadd.s32 $0xFFFFFFFF  }
0xbc: {  	_ =	strace $0x90000048  }
0xbd: {  	_ =	sfence  }
0xbe: {  	s30 =	sld [smem:$0x0];
	_ =	sdelay $0x2  }
0xbf: {  	s31 =	sshll.u32 s1, $0xD;
	s1 =	sshrl.u32 s1, $0x2  }
0xc0: {  	s3 =	sand.u32 $0x4000, s31;
	s1 =	sadd.s32 s1, s30  }
0xc1: {  	s0 =	sor.u32 s3, s0;
	s1 =	sshll.u32 s1, $0x11  }
0xc2: {  	s0 =	sor.u32 s1, s0  }
0xc3: {  	s0 =	sadd.s32 $0x8F2B, s0  }
0xc4: {  	[sflag:s0] =	ssyncadd.remote.s32 $0x1  }
0xc5: {  	_ =	sfence.sel $0xFFFF  }
0xc6: {  	[dreg:$0x0] =	wrdreg $0xFFFFFFFF;
	(pc) =	sbr.abs _section_cstart, $3  }
0xc7: {  	[dreg:$0x1] =	wrdreg $0xFFFFFFFF  }
0xc8: {  	_ =	task.clear_ibuf [dreg:s10], $0x2FFFF;
	_ =	strace $0x9FFFFFFF  }
0xc9: {  	(tm) =	ssettm $0x7FFFFFFF  }
tec
execute0_lowered:
.L_overlay_start_1:
0x0: {  	(tag) =	ssettag $0x1  }
0x1: {  	s1 =	rddreg [dreg:$0x0]  }
0x2: {  	s0 =	rddreg [dreg:$0x1]  }
0x3: {  	s2 =	srdreg.scid;
	s4 =	rddreg [dreg:$0x4]  }
0x4: {  	s3 =	stileid.u32;
	s5 =	rddreg [dreg:$0x5]  }
0x5: {  	s14 =	simm.s32 $0x7;
	s18 =	simm.s32 $0x80;
	s21 =	simm.s32 $0x7800  }
0x6: {  	s22 =	simm.s32 $0xF800;
	s23 =	simm.s32 $0x1;
	s24 =	simm.s32 $0x3  }
0x7: {  	s28 =	simm.s32 $0x4;
	s29 =	simm.s32 $0x17800;
	s30 =	simm.s32 $0x5  }
0x8: {  	s31 =	simm.s32 $0x6;
	s2 =	sand.u32 $0x1, s2;
	p0 =	sne.s32 s3, $0x0  }
0x9: {  	s6 =	sshll.u32 s2, $0x4;
	s2 =	ssub.s32 $0x2, s2;
	s17 =	sshrl.u32 @!p0 s5, $0x3  }
0xa: {  	s7 =	sor.u32 s3, s6;
	s6 =	simm.s32 $0x0;
	s25 =	sshrl.u32 s2, $0x1  }
0xb: {  	s3 =	simm.s32 $0x0;
	s8 =	smul.u32 $0x380, s7;
	[smem:$0x7FF] =	sst s6  }
0xc: {  	s26 =	ssub.s32 s2, s25;
	s11 =	smul.u32 $0xC8000, s7;
	s25 =	simm.s32 $0x13800  }
0xd: {  	_ =	strace $0x80000047;
	s12 =	smax.u32 s26, $0x1;
	s26 =	simm.s32 $0x2  }
0xe: {  	s10 =	sadd.s32 s8, s1;
	s1 =	sadd.s32 $0xE400, s1;
	s8 =	smul.u32 $0x1900, s7  }
0xf: {  	v58 =	vimm.s32 $0xF;
	[dreg:$0x7] =	wrdreg s1;
	s9 =	sadd.s32 $0x7400, s10;
	s10 =	sadd.s32 $0x400, s10  }
.LBB2_1:
0x10: {  	s1 =	rddreg [dreg:$0x2];
	s2 =	simm.s32 $0x1B800  }
0x11: {  	[tilespmem:s2], [sflag:$0x7] =	stream.linear.gather [hbm4b:s1+s6], $0x80, $0x38;
	[tilespmem:$0x1C580] =	vst v63  }
0x12: {  	_ =	swait.ge [sflag:s14], $0x80  }
0x13: {  	[sflag:s14] =	ssyncset.done $0x0  }
0x14: {  	[sflag:s14] =	ssyncadd.s32 $0xFFFFFF80  }
0x15: {  	s16 =	simm.s32 $0x1B880;
	s15 =	rddreg [dreg:$0x3]  }
0x16: {  	[tilespmem:s16], [sflag:$0x7] =	stream.linear.gather [hbm4b:s15+s6], $0x80, $0x38;
	[tilespmem:$0x1C580] =	vst v63  }
0x17: {  	_ =	swait.ge [sflag:s14], $0x80  }
0x18: {  	[sflag:s14] =	ssyncset.done $0x0  }
0x19: {  	[sflag:s14] =	ssyncadd.s32 $0xFFFFFF80  }
0x1a: {  	[tilespmem:s6], [sflag:$0x7] =	stream.linear.gather [hbm4b:s9+s6], $0x1900, $0x38;
	[tilespmem:$0x1C580] =	vst v63  }
0x1b: {  	_ =	swait.ge [sflag:s14], $0x1900  }
0x1c: {  	[sflag:s14] =	ssyncset.done $0x0  }
0x1d: {  	s7 =	simm.s32 $0x1C00;
	[sflag:s14] =	ssyncadd.s32 $0xFFFFE700  }
0x1e: {  	[tilespmem:s7], [sflag:$0x7] =	stream.linear.gather [hbm4b:s10+s6], $0x1900, $0x38;
	[tilespmem:$0x1C580] =	vst v63  }
0x1f: {  	_ =	swait.ge [sflag:s14], $0x1900  }
0x20: {  	[sflag:s14] =	ssyncset.done $0x0  }
0x21: {  	s1 =	simm.s32 @!p0 $0x1C07;
	s2 =	rddreg [dreg:$0x7];
	[sflag:s14] =	ssyncadd.s32 $0xFFFFE700  }
0x22: {  	[spmem:s17], [sflag:s1] =	dma.local @!p0 [hbm:s2], $0x1900  }
0x23: {  	s1 =	simm.s32 @!p0 $0x7  }
0x24: {  	_ =	swait.ge @!p0 [sflag:s1], $0x1900  }
0x25: {  	[sflag:s1] =	ssyncset.done @!p0 $0x0  }
0x26: {  	[sflag:s1] =	ssyncadd.s32 @!p0 $0xFFFFE700  }
0x27: {  	[bflag:$0x0] =	sbarrier.arrive $0xFFFF  }
0x28: {  	v1 =	vld [tilespmem:$0x1B800]  }
0x29: {  	v2 =	vld [tilespmem:$0x1B810]  }
0x2a: {  	v3 =	vld [tilespmem:$0x1B820]  }
0x2b: {  	v4 =	vld [tilespmem:$0x1B830]  }
0x2c: {  	v5 =	vld [tilespmem:$0x1B840]  }
0x2d: {  	v6 =	vld [tilespmem:$0x1B850]  }
0x2e: {  	v7 =	vld [tilespmem:$0x1B860]  }
0x2f: {  	v8 =	vld [tilespmem:$0x1B870]  }
0x30: {  	v9 =	vld [tilespmem:$0x1B880]  }
0x31: {  	v10 =	vld [tilespmem:$0x1B890]  }
0x32: {  	v11 =	vld [tilespmem:$0x1B8A0]  }
0x33: {  	v12 =	vld [tilespmem:$0x1B8B0]  }
0x34: {  	v13 =	vld [tilespmem:$0x1B8C0]  }
0x35: {  	v14 =	vld [tilespmem:$0x1B8D0]  }
0x36: {  	v15 =	vld [tilespmem:$0x1B8E0]  }
0x37: {  	v16 =	vld [tilespmem:$0x1B8F0];
	_ =	sdelay $0x1  }
0x38: {  	s19 =	simm.s32 $0x3800  }
0x39: {  	[tilespmem:s19], [sflag:$0x1] =	stream.indirect.gather [hbm4b:s0+s18], $0x80, s6, s18, $0xb8;
	v1 =	vpack.i.f32.bf16 v2, v1;
	v2 =	vpack.i.f32.bf16 v4, v3;
	[tilespmem:$0x1C580] =	vst v63  }
0x3a: {  	s20 =	simm.s32 $0xB800;
	s1 =	simm.s32 $0x0;
	v3 =	vpack.i.f32.bf16 v6, v5;
	v4 =	vpack.i.f32.bf16 v8, v7;
	v5 =	vpack.i.f32.bf16 v10, v9  }
0x3b: {  	[tilespmem:s20], [sflag:$0x3] =	stream.indirect.gather [spmem:s5], $0x80, s7, s18, $0xb8;
	v6 =	vpack.i.f32.bf16 v12, v11;
	v7 =	vpack.i.f32.bf16 v14, v13;
	v8 =	vpack.i.f32.bf16 v16, v15;
	[tilespmem:$0x1C580] =	vst v63  }
.LBB2_2:
0x3c: {  	s13 =	sshll.u32 s1, $0x8  }
0x3d: {  	s2 =	sor.u32 $0x80, s13  }
0x3e: {  	[tilespmem:s21], [sflag:$0x2] =	stream.indirect.gather [hbm4b:s0+s18], $0x80, s2, s18, $0xb8;
	[tilespmem:$0x1C580] =	vst v63  }
0x3f: {  	s7 =	sadd.s32 $0x1C80, s13  }
0x40: {  	[tilespmem:s22], [sflag:$0x4] =	stream.indirect.gather [spmem:s5], $0x80, s7, s18, $0xb8;
	[tilespmem:$0x1C580] =	vst v63  }
0x41: {  	_ =	swait.ge [sflag:s23], $0x4000  }
0x42: {  	[sflag:s23] =	ssyncset.done $0x0  }
0x43: {  	[sflag:s23] =	ssyncadd.s32 $0xFFFFC000  }
0x44: {  	_ =	swait.ge [sflag:s24], $0x4000  }
0x45: {  	p1 =	seq.s32 s1, $0x0;
	[sflag:s24] =	ssyncset.done $0x0  }
0x46: {  	s7 =	simm.s32 @!p1 $0x5;
	[sflag:s24] =	ssyncadd.s32 $0xFFFFC000  }
0x47: {  	_ =	swait.ge @!p1 [sflag:s7], $0x4000  }
0x48: {  	[sflag:s7] =	ssyncset.done @!p1 $0x0  }
0x49: {  	s20 =	simm.s32 $0x3900;
	[sflag:s7] =	ssyncadd.s32 @!p1 $0xFFFFC000  }
0x4a: {  	s15 =	simm.s32 $0xB900;
	v9 =	vld [tilespmem:s20+$0x80]  }
0x4b: {  	v10 =	vld [tilespmem:s15+$0x80]  }
0x4c: {  	v11 =	vld [tilespmem:s20+$0x90]  }
0x4d: {  	v12 =	vld [tilespmem:s15+$0x90]  }
0x4e: {  	v13 =	vld [tilespmem:s20+$0xA0]  }
0x4f: {  	v14 =	vld [tilespmem:s15+$0xA0]  }
0x50: {  	v15 =	vld [tilespmem:s20+$0xB0]  }
0x51: {  	v16 =	vld [tilespmem:s15+$0xB0]  }
0x52: {  	v17 =	vld [tilespmem:s20+$0xC0]  }
0x53: {  	v18 =	vld [tilespmem:s15+$0xC0]  }
0x54: {  	v19 =	vld [tilespmem:s20+$0xD0]  }
0x55: {  	v21 =	vld [tilespmem:s15+$0xD0]  }
0x56: {  	v22 =	vld [tilespmem:s20+$0xE0]  }
0x57: {  	v23 =	vld [tilespmem:s15+$0xE0]  }
0x58: {  	v25 =	vld [tilespmem:s20+$0xF0]  }
0x59: {  	v26 =	vld [tilespmem:s15+$0xF0]  }
0x5a: {  	v28 =	vld [tilespmem:s20+$0xFFFFFF10]  }
0x5b: {  	v29 =	vld [tilespmem:s15+$0xFFFFFF10]  }
0x5c: {  	v33 =	vld [tilespmem:s20+$0xFFFFFF40];
	v27 =	vadd.f32 v10, v9  }
0x5d: {  	v36 =	vld [tilespmem:s15+$0xFFFFFF40];
	v24 =	vadd.f32 v12, v11;
	v9 =	vadd.f32 v14, v13  }
0x5e: {  	v57 =	vld [tilespmem:s20+$0xFFFFFF60];
	v10 =	vadd.f32 v16, v15;
	v11 =	vadd.f32 v18, v17  }
0x5f: {  	v59 =	vld [tilespmem:s20+$0xFFFFFF70];
	v12 =	vadd.f32 v21, v19;
	v21 =	vadd.f32 v23, v22;
	v14 =	vmul.f32 v27, v27  }
0x60: {  	v60 =	vld [tilespmem:s20+$0xFFFFFF80];
	v22 =	vadd.f32 v26, v25;
	v16 =	vmul.f32 v24, v24;
	v17 =	vmul.f32 v9, v9  }
0x61: {  	v61 =	vld [tilespmem:s15+$0xFFFFFF80];
	v19 =	vmul.f32 v10, v10;
	v23 =	vadd.f32 v24, v27;
	v25 =	vadd.f32 v10, v9  }
0x62: {  	v38 =	vld [tilespmem:s20+$0xFFFFFF90];
	v30 =	vmul.f32 v11, v11;
	v31 =	vadd.f32 v12, v11;
	v32 =	vadd.f32 v22, v21  }
0x63: {  	v63 =	vld [tilespmem:s20+$0xFFFFFFB0];
	v34 =	vmul.f32 v12, v12;
	v35 =	vmul.f32 v21, v21  }
0x64: {  	v13 =	vld [tilespmem:s20+$0xFFFFFF20];
	v37 =	vmul.f32 v22, v22;
	v23 =	vadd.f32 v25, v23;
	v25 =	vadd.f32 v32, v31  }
0x65: {  	v15 =	vld [tilespmem:s15+$0xFFFFFF20];
	v14 =	vadd.f32 v16, v14;
	v16 =	vadd.f32 v19, v17  }
0x66: {  	v18 =	vld [tilespmem:s20+$0xFFFFFF30];
	v19 =	vadd.f32 v34, v30;
	v30 =	vadd.f32 v37, v35  }
0x67: {  	v31 =	vld [tilespmem:s20+$0xFFFFFF50];
	v23 =	vadd.f32 v25, v23  }
0x68: {  	v17 =	vld [tilespmem:s15+$0xFFFFFF50];
	v14 =	vadd.f32 v16, v14;
	v16 =	vadd.f32 v30, v19  }
0x69: {  	v26 =	vld [tilespmem:s15+$0xFFFFFF30]  }
0x6a: {  	v48 =	vld [tilespmem:s15+$0xFFFFFFB0];
	(xrf2) =	vadd.scan.msk.f32 $0xffff, v23;
	v14 =	vadd.f32 v16, v14  }
0x6b: {  	v25 =	vld [tilespmem:s15+$0xFFFFFF60]  }
0x6c: {  	v39 =	vld [tilespmem:s15+$0xFFFFFF90];
	(xrf2) =	vadd.scan.msk.f32 $0xffff, v14  }
0x6d: {  	v19 =	vadd.f32 v29, v28;
	v23 =	vld [tilespmem:s15+$0xFFFFFF70];
	v17 =	vadd.f32 v17, v31  }
0x6e: {  	v62 =	vld [tilespmem:s15+$0xFFFFFFA0];
	v14 =	vadd.f32 v15, v13;
	v13 =	vadd.f32 v26, v18  }
0x6f: {  	v43 =	vld [tilespmem:s20+$0xFFFFFFD0];
	v15 =	vadd.f32 v36, v33;
	v36 =	vadd.f32 v48, v63  }
0x70: {  	v26 =	vld [tilespmem:s20+$0xFFFFFFA0];
	v18 =	vadd.f32 v25, v57;
	v25 =	vadd.f32 v61, v60;
	v28 =	vmul.f32 v14, v14  }
0x71: {  	v53 =	vld [tilespmem:s15+$0xFFFFFFD0];
	v29 =	vmul.f32 v13, v13;
	v30 =	vadd.f32 v13, v14;
	v31 =	vmul.f32 v15, v15  }
0x72: {  	v49 =	vadd.f32 v17, v15;
	v16 =	vadd.f32 v23, v59;
	v23 =	vmul.f32 v17, v17  }
0x73: {  	v45 =	vld [tilespmem:s20+$0xFFFFFFF0];
	v48 =	vmul.f32 v36, v36;
	v40 =	vmul.f32 v18, v18;
	v29 =	vadd.f32 v29, v28  }
0x74: {  	v56 =	vld [tilespmem:s15+$0xFFFFFFF0];
	v41 =	vmul.f32 v16, v16;
	v42 =	vadd.f32 v23, v31;
	v23 =	vadd.f32 v16, v18;
	v50, _, _ =	vpop (xrf2)  }
0x75: {  	v51 =	vld [tilespmem:s15+$0xFFFFFFC0];
	v31 =	vadd.f32 v39, v38;
	v33 =	vadd.f32 v62, v26;
	v35 =	vperm.xlane v50, v58  }
0x76: {  	v44 =	vmul.f32 v25, v25;
	v28 =	vld [tilespmem:s20+$0xFFFFFFC0];
	v39 =	vadd.f32 v53, v43;
	v52 =	vadd.f32 v41, v40;
	v54, _, _ =	vpop (xrf2)  }
0x77: {  	v55 =	vld [tilespmem:s20+$0xFFFFFFE0];
	v34 =	vadd.f32 v23, v49;
	v23 =	vmul.f32 $7.812500000e-03, v35;
	v60 =	vperm.xlane v54, v58  }
0x78: {  	v26 =	vld [tilespmem:s15+$0xFFFFFFE0];
	v61 =	vmul.f32 v31, v31;
	v62 =	vadd.f32 v31, v25;
	v59 =	vadd.f32 v36, v33  }
0x79: {  	v20 =	vld [tilespmem:s15+$0xFFFFFF00];
	v40 =	vadd.f32 v56, v45;
	v35 =	vmul.f32 $7.812500000e-03, v60;
	v46 =	vmul.f32 v23, v23  }
0x7a: {  	v43 =	vld [tilespmem:s20+$0x10];
	v57 =	vmul.f32 v33, v33;
	v38 =	vadd.f32 v52, v42;
	v63 =	vadd.f32 v61, v44  }
0x7b: {  	v56 =	vld [tilespmem:s15+$0x30];
	v37 =	vadd.f32 v51, v28;
	v35 =	vsub.f32 v35, v46  }
0x7c: {  	v28 =	vld [tilespmem:s20+$0x0];
	v42 =	vadd.f32 v59, v62;
	v44 =	vadd.f32 v48, v57  }
0x7d: {  	v61 =	vld [tilespmem:s20+$0x20];
	v62 =	vmul.f32 v39, v39;
	v41 =	vadd.f32 v26, v55;
	v35 =	vadd.f32 $9.999999970e-07, v35  }
0x7e: {  	v50 =	vld [tilespmem:s15+$0x20];
	v55 =	vmul.f32 v40, v40;
	v49 =	vmul.f32 v37, v37;
	v44 =	vadd.f32 v44, v63  }
0x7f: {  	v52 =	vld [tilespmem:s20+$0x30];
	v54 =	vadd.f32 v40, v41;
	v26 =	vshrl.u32 v35, $0x1;
	v35 =	vmul.f32 $5.000000000e-01, v35  }
0x80: {  	v63 =	vmul.f32 v41, v41;
	v47 =	vsub.f32 v27, v23;
	v27 =	vld [tilespmem:s15+$0x0];
	v51 =	vsub.s32 $0x5F3759DF, v26  }
0x81: {  	v60 =	vld [tilespmem:s15+$0x10];
	v48 =	vadd.f32 v62, v49;
	v26 =	vadd.f32 v39, v37;
	v53 =	vmul.f32 v51, v35  }
0x82: {  	v49 =	vld [tilespmem:s20+$0x40];
	v24 =	vsub.f32 v24, v23;
	v32 =	vadd.f32 v55, v63  }
0x83: {  	v21 =	vsub.f32 v21, v23;
	v63 =	vld [tilespmem:s20+$0xFFFFFF00];
	v54 =	vadd.f32 v54, v26;
	v53 =	vmul.f32 v51, v53  }
0x84: {  	v22 =	vsub.f32 v22, v23;
	v55 =	vld [tilespmem:s15+$0x40];
	v48 =	vadd.f32 v32, v48  }
0x85: {  	v42 =	vadd.f32 v54, v42;
	v53 =	vsub.f32 $1.500000000e+00, v53  }
0x86: {  	v57 =	vld [tilespmem:s20+$0x50];
	v26 =	vadd.f32 v27, v28;
	v27 =	vadd.f32 v60, v43  }
0x87: {  	v32 =	vadd.f32 v56, v52;
	v44 =	vadd.f32 v48, v44;
	v43 =	vld [tilespmem:s15+$0x50];
	(xrf2) =	vadd.scan.msk.f32 $0xffff, v42;
	v46 =	vmul.f32 v51, v53  }
0x88: {  	v20 =	vadd.f32 v20, v63;
	v59 =	vmul.f32 v26, v26;
	v60 =	vmul.f32 v27, v27  }
0x89: {  	v45 =	vld [tilespmem:s20+$0x60];
	v49 =	vadd.f32 v55, v49;
	v28 =	vadd.f32 v50, v61;
	v35 =	vmul.f32 v46, v35  }
0x8a: {  	v63 =	vadd.f32 v19, v20;
	v61 =	vmul.f32 v32, v32;
	v42 =	vadd.f32 v60, v59;
	v60 =	vld [tilespmem:s15+$0x70];
	(xrf2) =	vadd.scan.msk.f32 $0xffff, v44  }
0x8b: {  	v50 =	vadd.f32 v27, v26;
	v52 =	vmul.f32 v28, v28;
	v51 =	vld [tilespmem:s15+$0x60];
	v35 =	vmul.f32 v35, v46  }
0x8c: {  	v62 =	vadd.f32 v32, v28;
	v53 =	vld [tilespmem:s20+$0x70];
	v43 =	vadd.f32 v43, v57  }
0x8d: {  	v48 =	vadd.f32 v61, v52;
	v35 =	vsub.f32 $1.500000000e+00, v35  }
0x8e: {  	v50 =	vadd.f32 v62, v50;
	v61 =	vmul.f32 v49, v49;
	v62 =	vmul.f32 v43, v43  }
0x8f: {  	v44 =	vmul.f32 v19, v19;
	v42 =	vadd.f32 v48, v42;
	v35 =	vmul.f32 v35, v46  }
0x90: {  	v45 =	vadd.f32 v51, v45;
	v51 =	vadd.f32 v62, v61;
	v61 =	vmul.f32 v20, v20  }
0x91: {  	v48 =	vadd.f32 v60, v53;
	v60, _, _ =	vpop (xrf2);
	v21 =	vmul.f32 v35, v21;
	v22 =	vmul.f32 v35, v22  }
0x92: {  	v54 =	vadd.f32 v43, v49;
	v46 =	vmul.f32 v45, v45;
	v55 =	vperm.xlane v60, v58  }
0x93: {  	v21 =	vpack.i.f32.bf16 v22, v21;
	v22 =	vadd.f32 v30, v63;
	v30 =	vmul.f32 v48, v48  }
0x94: {  	v62 =	vadd.f32 v48, v45;
	v44 =	vadd.f32 v44, v61;
	v56, _, _ =	vpop (xrf2);
	v52 =	vmul.f32 $7.812500000e-03, v55  }
0x95: {  	v22 =	vadd.f32 v34, v22;
	v30 =	vadd.f32 v30, v46;
	v34 =	vperm.xlane v56, v58  }
0x96: {  	v29 =	vadd.f32 v29, v44;
	v63 =	vadd.f32 v62, v54;
	v21 =	vmul.bf16 v21, v4  }
0x97: {  	v59 =	vmul.f32 v52, v52;
	(xrf2) =	vadd.scan.msk.f32 $0xffff, v22;
	v22 =	vadd.f32 v30, v51;
	v30 =	vmul.f32 $7.812500000e-03, v34  }
0x98: {  	v60 =	vmul.f32 v35, v47;
	v61 =	vsub.f32 v25, v52;
	v57 =	vadd.bf16 v21, v8  }
0x99: {  	v24 =	vmul.f32 v35, v24;
	v21 =	vadd.f32 v63, v50;
	v25 =	vsub.f32 v30, v59  }
0x9a: {  	v9 =	vsub.f32 v9, v23;
	v10 =	vsub.f32 v10, v23  }
0x9b: {  	v29 =	vadd.f32 v38, v29;
	(xrf2) =	vadd.scan.msk.f32 $0xffff, v21;
	v21 =	vpack.i.f32.bf16 v24, v60;
	v24 =	vadd.f32 $9.999999970e-07, v25  }
0x9c: {  	v11 =	vsub.f32 v11, v23;
	v9 =	vmul.f32 v35, v9  }
0x9d: {  	v10 =	vmul.f32 v35, v10;
	(xrf2) =	vadd.scan.msk.f32 $0xffff, v29;
	v25 =	vshrl.u32 v24, $0x1;
	v29 =	vmul.f32 $5.000000000e-01, v24  }
0x9e: {  	v12 =	vsub.f32 v12, v23;
	v22 =	vadd.f32 v22, v42;
	v25 =	vsub.s32 $0x5F3759DF, v25  }
0x9f: {  	v11 =	vmul.f32 v35, v11;
	v9 =	vpack.i.f32.bf16 v10, v9;
	v24 =	vmul.f32 v25, v29  }
0xa0: {  	v10 =	vmul.f32 v35, v12;
	v9 =	vmul.bf16 v9, v2  }
0xa1: {  	v31 =	vsub.f32 v31, v52;
	v33 =	vsub.f32 v33, v52;
	(xrf2) =	vadd.scan.msk.f32 $0xffff, v22;
	v23 =	vmul.f32 v25, v24  }
0xa2: {  	v36 =	vsub.f32 v36, v52;
	v37 =	vsub.f32 v37, v52;
	v21 =	vmul.bf16 v21, v1;
	v22, _, _ =	vpop (xrf2)  }
0xa3: {  	v62 =	vsub.f32 v39, v52;
	v40 =	vsub.f32 v40, v52;
	v22 =	vperm.xlane v22, v58  }
0xa4: {  	v10 =	vpack.i.f32.bf16 v10, v11;
	v63 =	vsub.f32 v41, v52;
	v21 =	vadd.bf16 v21, v5  }
0xa5: {  	v54 =	vunpack.i.l.bf16.f32 v57;
	v12 =	vmul.f32 $7.812500000e-03, v22;
	v22 =	vsub.f32 $1.500000000e+00, v23;
	v23, _, _ =	vpop (xrf2)  }
0xa6: {  	v50 =	vunpack.i.u.bf16.f32 v21;
	v51 =	vunpack.i.l.bf16.f32 v21;
	v23 =	vperm.xlane v23, v58  }
0xa7: {  	v24 =	vsub.f32 v20, v12;
	v52 =	vmul.f32 v25, v22;
	v25 =	vsub.f32 v19, v12  }
0xa8: {  	v11 =	vmul.f32 v12, v12;
	v22 =	vsub.f32 v14, v12;
	v14, _, _ =	vpop (xrf2);
	v21 =	vsub.f32 v13, v12  }
0xa9: {  	v19 =	vperm.xlane v14, v58;
	v14 =	vsub.f32 v17, v12;
	v13 =	vmul.f32 v52, v29  }
0xaa: {  	v53 =	vmul.f32 $7.812500000e-03, v23;
	v23 =	vsub.f32 v15, v12;
	v15 =	vsub.f32 v16, v12  }
0xab: {  	v20 =	vmul.f32 $7.812500000e-03, v19;
	v19 =	vsub.f32 v18, v12;
	v18, _, _ =	vpop (xrf2);
	v13 =	vmul.f32 v13, v52  }
0xac: {  	v17 =	vmul.f32 v53, v53;
	v12 =	vperm.xlane v18, v58;
	v16 =	vsub.f32 v26, v53  }
0xad: {  	v26 =	vmul.bf16 v10, v3;
	v11 =	vsub.f32 v20, v11;
	v13 =	vsub.f32 $1.500000000e+00, v13  }
0xae: {  	v18 =	vsub.f32 v28, v53;
	v20 =	vsub.f32 v27, v53;
	v10 =	vmul.f32 $7.812500000e-03, v12  }
0xaf: {  	v11 =	vadd.f32 $9.999999970e-07, v11;
	v42 =	vmul.f32 v13, v52;
	v13 =	vsub.f32 v32, v53  }
0xb0: {  	v30 =	vunpack.i.u.bf16.f32 v57;
	v10 =	vsub.f32 v10, v17;
	v17 =	vsub.f32 v49, v53  }
0xb1: {  	v12 =	vshrl.u32 v11, $0x1;
	v55 =	vmul.f32 $5.000000000e-01, v11;
	v11 =	vsub.f32 v43, v53  }
0xb2: {  	v28 =	vsub.s32 $0x5F3759DF, v12;
	v27 =	vadd.f32 $9.999999970e-07, v10;
	v38 =	vmul.f32 v42, v61  }
0xb3: {  	v12 =	vsub.f32 v45, v53;
	v31 =	vmul.f32 v42, v31;
	v29 =	vmul.f32 v28, v55  }
0xb4: {  	v33 =	vmul.f32 v42, v33;
	v56 =	vshrl.u32 v27, $0x1;
	v27 =	vmul.f32 $5.000000000e-01, v27  }
0xb5: {  	v36 =	vmul.f32 v42, v36;
	v57 =	vmul.f32 v28, v29;
	v29 =	vsub.s32 $0x5F3759DF, v56  }
0xb6: {  	v10 =	vsub.f32 v48, v53;
	v37 =	vmul.f32 v42, v37;
	v59 =	vmul.f32 v29, v27  }
0xb7: {  	s19 =	simm.s32 $0x13900;
	v34 =	vmul.f32 v42, v62;
	v61 =	vmul.f32 v42, v63;
	v60 =	vsub.f32 $1.500000000e+00, v57  }
0xb8: {  	[tilespmem:s19+$0xE0] =	vst v54;
	v63 =	vmul.f32 v42, v40;
	v31 =	vpack.i.f32.bf16 v31, v38;
	v62 =	vmul.f32 v29, v59  }
0xb9: {  	[tilespmem:s19+$0xF0] =	vst v30;
	v30 =	vpack.i.f32.bf16 v36, v33;
	v37 =	vpack.i.f32.bf16 v34, v37;
	v28 =	vmul.f32 v28, v60  }
0xba: {  	[tilespmem:s19+$0x90] =	vst v50;
	v31 =	vmul.bf16 v31, v1;
	v30 =	vmul.bf16 v30, v2;
	v34 =	vsub.f32 $1.500000000e+00, v62  }
0xbb: {  	s16 =	simm.s32 $0x0;
	s7 =	simm.s32 $0x3B00;
	s20 =	simm.s32 $0x13900;
	[tilespmem:s19+$0x80] =	vst v51;
	v35 =	vpack.i.f32.bf16 v63, v61;
	v32 =	vmul.bf16 v37, v3;
	v33 =	vmul.f32 v28, v55  }
.LBB2_3:
0xbc: {  	v36 =	vld [tilespmem:s7+$0x80];
	v31 =	vadd.bf16 v31, v5;
	v35 =	vmul.bf16 v35, v4;
	v29 =	vmul.f32 v29, v34;
	s15 =	sadd.s32 $0x200, s15  }
0xbd: {  	v30 =	vadd.bf16 v30, v6;
	v34 =	vld [tilespmem:s15+$0x80];
	v33 =	vmul.f32 v33, v28;
	v32 =	vadd.bf16 v32, v7  }
0xbe: {  	v38 =	vadd.bf16 v9, v6;
	v37 =	vld [tilespmem:s7+$0x90];
	v35 =	vadd.bf16 v35, v8;
	v27 =	vmul.f32 v29, v27  }
0xbf: {  	v9 =	vadd.bf16 v26, v7;
	v40 =	vunpack.i.u.bf16.f32 v31;
	v39 =	vld [tilespmem:s15+$0x90];
	v33 =	vsub.f32 $1.500000000e+00, v33  }
0xc0: {  	v31 =	vunpack.i.l.bf16.f32 v31;
	v26 =	vld [tilespmem:s7+$0xA0];
	[tilespmem:s19+$0xFFFFFF90] =	vst v40;
	v40 =	vunpack.i.u.bf16.f32 v30;
	v27 =	vmul.f32 v27, v29  }
0xc1: {  	v30 =	vunpack.i.l.bf16.f32 v30;
	v41 =	vld [tilespmem:s15+$0xA0];
	v28 =	vmul.f32 v33, v28;
	[tilespmem:s19+$0xFFFFFF80] =	vst v31;
	v31 =	vunpack.i.u.bf16.f32 v32  }
0xc2: {  	v33 =	vld [tilespmem:s7+$0xB0];
	[tilespmem:s19+$0xFFFFFFA0] =	vst v30;
	v30 =	vunpack.i.l.bf16.f32 v32;
	v32 =	vunpack.i.u.bf16.f32 v35;
	v27 =	vsub.f32 $1.500000000e+00, v27  }
0xc3: {  	v35 =	vunpack.i.l.bf16.f32 v35;
	v42 =	vld [tilespmem:s15+$0xB0];
	v24 =	vmul.f32 v28, v24;
	v25 =	vmul.f32 v28, v25;
	[tilespmem:s19+$0xFFFFFFB0] =	vst v40  }
0xc4: {  	v22 =	vmul.f32 v28, v22;
	v40 =	vld [tilespmem:s7+$0xC0];
	[tilespmem:s19+$0xFFFFFFC0] =	vst v30;
	v27 =	vmul.f32 v27, v29;
	v29 =	vunpack.i.u.bf16.f32 v38  }
0xc5: {  	v21 =	vmul.f32 v28, v21;
	v23 =	vmul.f32 v28, v23;
	v43 =	vld [tilespmem:s15+$0xC0];
	v24 =	vpack.i.f32.bf16 v25, v24;
	[tilespmem:s19+$0xFFFFFFD0] =	vst v31  }
0xc6: {  	v14 =	vmul.f32 v28, v14;
	v19 =	vmul.f32 v28, v19;
	v30 =	vunpack.i.l.bf16.f32 v38;
	v25 =	vld [tilespmem:s7+$0xD0];
	[tilespmem:s19+$0xFFFFFFE0] =	vst v35  }
0xc7: {  	v15 =	vmul.f32 v28, v15;
	v22 =	vpack.i.f32.bf16 v21, v22;
	v16 =	vmul.f32 v27, v16;
	v31 =	vld [tilespmem:s15+$0xD0];
	[tilespmem:s19+$0xFFFFFFF0] =	vst v32  }
0xc8: {  	v14 =	vpack.i.f32.bf16 v14, v23;
	v20 =	vmul.f32 v27, v20;
	v18 =	vmul.f32 v27, v18;
	v28 =	vld [tilespmem:s7+$0xE0];
	[tilespmem:s19+$0xA0] =	vst v30  }
0xc9: {  	v15 =	vpack.i.f32.bf16 v15, v19;
	v13 =	vmul.f32 v27, v13;
	v17 =	vmul.f32 v27, v17;
	v23 =	vld [tilespmem:s15+$0xE0];
	[tilespmem:s19+$0xB0] =	vst v29  }
0xca: {  	v11 =	vmul.f32 v27, v11;
	v12 =	vmul.f32 v27, v12;
	v16 =	vpack.i.f32.bf16 v20, v16;
	v19 =	vld [tilespmem:s7+$0xF0]  }
0xcb: {  	v10 =	vmul.f32 v27, v10;
	v18 =	vpack.i.f32.bf16 v13, v18;
	v29 =	vmul.bf16 v24, v1;
	v20 =	vld [tilespmem:s15+$0xF0]  }
0xcc: {  	v27 =	vadd.f32 v34, v36;
	v32 =	vmul.bf16 v22, v2;
	v34 =	vpack.i.f32.bf16 v11, v17;
	v21 =	vld [tilespmem:s15+$0xFFFFFF00]  }
0xcd: {  	s16 =	sadd.s32 $0x4, s16;
	v30 =	vadd.f32 v39, v37;
	v11 =	vadd.f32 v41, v26;
	v26 =	vpack.i.f32.bf16 v10, v12;
	v17 =	vld [tilespmem:s7+$0xFFFFFF10]  }
0xce: {  	p2 =	slt.u32 s16, $0x7C;
	v12 =	vadd.f32 v42, v33;
	v33 =	vmul.bf16 v14, v3;
	v13 =	vadd.f32 v43, v40;
	v10 =	vld [tilespmem:s15+$0xFFFFFF10]  }
0xcf: {  	v36 =	vmul.f32 v27, v27;
	v14 =	vadd.f32 v31, v25;
	v22 =	vadd.f32 v23, v28;
	v35 =	vld [tilespmem:s7+$0xFFFFFF20]  }
0xd0: {  	v31 =	vmul.f32 v11, v11;
	v28 =	vmul.f32 v30, v30;
	v25 =	vld [tilespmem:s15+$0xFFFFFF20];
	v23 =	vadd.f32 v20, v19  }
0xd1: {  	v24 =	vadd.f32 v30, v27;
	v37 =	vadd.f32 v12, v11;
	v20 =	vmul.f32 v12, v12;
	v19 =	vld [tilespmem:s7+$0xFFFFFF30]  }
0xd2: {  	v39 =	vmul.f32 v13, v13;
	v40 =	vadd.f32 v14, v13;
	v38 =	vld [tilespmem:s15+$0xFFFFFF30];
	v41 =	vadd.f32 v23, v22  }
0xd3: {  	v43 =	vmul.f32 v22, v22;
	v10 =	vadd.f32 v10, v17;
	v42 =	vld [tilespmem:s7+$0xFFFFFF40];
	v17 =	vmul.f32 v14, v14  }
0xd4: {  	v37 =	vadd.f32 v37, v24;
	v45 =	vmul.f32 v23, v23;
	v44 =	vld [tilespmem:s15+$0xFFFFFF40];
	v40 =	vadd.f32 v41, v40  }
0xd5: {  	v28 =	vadd.f32 v28, v36;
	v20 =	vadd.f32 v20, v31;
	v24 =	vmul.f32 v10, v10;
	v41 =	vld [tilespmem:s7+$0xFFFFFF50]  }
0xd6: {  	v36 =	vadd.f32 v45, v43;
	v17 =	vadd.f32 v17, v39;
	v39 =	vmul.bf16 v15, v4;
	v31 =	vld [tilespmem:s15+$0xFFFFFF50]  }
0xd7: {  	v15 =	vadd.f32 v25, v35;
	v35 =	vadd.f32 v40, v37;
	v37 =	vmul.bf16 v16, v1;
	v25 =	vld [tilespmem:s7+$0xFFFFFF60]  }
0xd8: {  	v20 =	vadd.f32 v20, v28;
	v28 =	vadd.f32 v36, v17;
	v36 =	vmul.bf16 v18, v2;
	v40 =	vld [tilespmem:s15+$0xFFFFFF60]  }
0xd9: {  	v43 =	vmul.f32 v15, v15;
	v17 =	vadd.f32 v38, v19;
	v16 =	vadd.f32 v44, v42;
	v38 =	vld [tilespmem:s7+$0xFFFFFF70];
	(xrf2) =	vadd.scan.msk.f32 $0xffff, v35  }
0xda: {  	v19 =	vadd.f32 v28, v20;
	v28 =	vmul.bf16 v34, v3;
	v34 =	vmul.bf16 v26, v4;
	v35 =	vld [tilespmem:s15+$0xFFFFFF70]  }
0xdb: {  	v20 =	vmul.f32 v17, v17;
	v42 =	vmul.f32 v16, v16;
	v18 =	vadd.f32 v31, v41;
	v31 =	vld [tilespmem:s7+$0xFFFFFF80]  }
0xdc: {  	v29 =	vadd.bf16 v29, v5;
	v26 =	vadd.f32 v17, v15;
	v44 =	vunpack.i.u.bf16.f32 v9;
	v41 =	vld [tilespmem:s15+$0xFFFFFF80];
	(xrf2) =	vadd.scan.msk.f32 $0xffff, v19  }
0xdd: {  	v45 =	vmul.f32 v18, v18;
	v19 =	vadd.f32 v40, v25;
	v40 =	vadd.f32 v18, v16;
	v46 =	vld [tilespmem:s7+$0xFFFFFF90];
	[tilespmem:s19+$0xD0] =	vst v44  }
0xde: {  	v32 =	vadd.bf16 v32, v6;
	v25 =	vadd.f32 v20, v43;
	v44 =	vunpack.i.u.bf16.f32 v29;
	v43 =	vld [tilespmem:s15+$0xFFFFFF90]  }
0xdf: {  	v47 =	vmul.f32 v19, v19;
	v20 =	vadd.f32 v35, v38;
	v35 =	vadd.f32 v45, v42;
	v38 =	vld [tilespmem:s7+$0xFFFFFFA0];
	[tilespmem:s19+$0xFFFFFF10] =	vst v44  }
0xe0: {  	v48 =	vadd.bf16 v33, v7;
	v49 =	vadd.bf16 v39, v8;
	v44 =	vunpack.i.l.bf16.f32 v29;
	v42 =	vld [tilespmem:s15+$0xFFFFFFA0]  }
0xe1: {  	v33 =	vmul.f32 v20, v20;
	v39 =	vadd.f32 v20, v19;
	v29 =	vadd.f32 v41, v31;
	v50 =	vld [tilespmem:s7+$0xFFFFFFB0];
	[tilespmem:s19+$0xFFFFFF00] =	vst v44  }
0xe2: {  	v51 =	vadd.bf16 v37, v5;
	v45 =	vunpack.i.u.bf16.f32 v32;
	v41 =	vadd.bf16 v36, v6;
	v44 =	vld [tilespmem:s15+$0xFFFFFFB0]  }
0xe3: {  	v37 =	vadd.f32 v39, v40;
	v40 =	vmul.f32 v29, v29;
	v31 =	vadd.f32 v43, v46;
	v43 =	vld [tilespmem:s7+$0xFFFFFFC0];
	v36, _, _ =	vpop (xrf2);
	[tilespmem:s19+$0xFFFFFF30] =	vst v45  }
0xe4: {  	v32 =	vunpack.i.l.bf16.f32 v32;
	v39 =	vadd.f32 v33, v47;
	v45 =	vadd.bf16 v28, v7;
	v46 =	vld [tilespmem:s15+$0xFFFFFFC0]  }
0xe5: {  	v28 =	vperm.xlane v36, v58;
	v47 =	vmul.f32 v31, v31;
	v33 =	vadd.f32 v42, v38;
	v38 =	vld [tilespmem:s7+$0xFFFFFFD0];
	[tilespmem:s19+$0xFFFFFF20] =	vst v32  }
0xe6: {  	v39 =	vadd.f32 v39, v35;
	v52 =	vadd.f32 v31, v29;
	v42 =	vunpack.i.u.bf16.f32 v48;
	v32 =	vld [tilespmem:s15+$0xFFFFFFD0];
	v35, _, _ =	vpop (xrf2)  }
0xe7: {  	v28 =	vmul.f32 $7.812500000e-03, v28;
	v36 =	vadd.f32 v44, v50;
	v44 =	vld [tilespmem:s7+$0xFFFFFFE0];
	v50 =	vperm.xlane v35, v58;
	[tilespmem:s19+$0xFFFFFF50] =	vst v42  }
0xe8: {  	v53 =	vmul.f32 v33, v33;
	v55 =	vadd.f32 v47, v40;
	v35 =	vadd.bf16 v34, v8;
	v54 =	vld [tilespmem:s15+$0xFFFFFFE0]  }
0xe9: {  	v40 =	vadd.f32 v46, v43;
	v34 =	vld [tilespmem:s7+$0xFFFFFFF0];
	v43 =	vmul.f32 $7.812500000e-03, v50;
	v46 =	vmul.f32 v28, v28  }
0xea: {  	v47 =	vsub.f32 v27, v28;
	v50 =	vmul.f32 v36, v36;
	v57 =	vadd.f32 v36, v33;
	v56 =	vld [tilespmem:s15+$0xFFFFFFF0]  }
0xeb: {  	v27 =	vmul.f32 v40, v40;
	v42 =	vadd.f32 v32, v38;
	v32 =	vld [tilespmem:s7+$0x0];
	v38 =	vsub.f32 v43, v46  }
0xec: {  	v48 =	vunpack.i.l.bf16.f32 v48;
	v43 =	vadd.f32 v57, v52;
	v46 =	vadd.f32 v50, v53;
	v50 =	vld [tilespmem:s15+$0x0]  }
0xed: {  	v52 =	vmul.f32 v42, v42;
	v44 =	vadd.f32 v54, v44;
	v53 =	vld [tilespmem:s7+$0x10];
	v38 =	vadd.f32 $9.999999970e-07, v38;
	[tilespmem:s19+$0xFFFFFF40] =	vst v48  }
0xee: {  	v57 =	vunpack.i.u.bf16.f32 v49;
	v48 =	vadd.f32 v42, v40;
	v54 =	vadd.f32 v46, v55;
	v55 =	vld [tilespmem:s15+$0x10]  }
0xef: {  	v46 =	vadd.f32 v56, v34;
	v34 =	vld [tilespmem:s7+$0x20];
	v56 =	vshrl.u32 v38, $0x1;
	v58 =	vmul.f32 $5.000000000e-01, v38;
	[tilespmem:s19+$0xFFFFFF70] =	vst v57  }
0xf0: {  	v38 =	vmul.f32 v44, v44;
	v52 =	vadd.f32 v52, v27;
	v57 =	vld [tilespmem:s15+$0x20];
	v56 =	vsub.s32 $0x5F3759DF, v56  }
0xf1: {  	v59 =	vmul.f32 v46, v46;
	v27 =	vadd.f32 v50, v32;
	v50 =	vld [tilespmem:s7+$0x30];
	v32 =	vmul.f32 v56, v58  }
0xf2: {  	v62 =	vsub.f32 v30, v28;
	v49 =	vunpack.i.l.bf16.f32 v49;
	v60 =	vadd.f32 v46, v44;
	v61 =	vld [tilespmem:s15+$0x30]  }
0xf3: {  	v63 =	vmul.f32 v27, v27;
	v30 =	vadd.f32 v55, v53;
	v53 =	vld [tilespmem:s7+$0x40];
	v55 =	vmul.f32 v56, v32;
	[tilespmem:s19+$0xFFFFFF60] =	vst v49  }
0xf4: {  	v48 =	vadd.f32 v60, v48;
	v49 =	vld [tilespmem:s15+$0x40]  }
0xf5: {  	v38 =	vadd.f32 v59, v38;
	v59 =	vunpack.i.u.bf16.f32 v51;
	v32 =	vadd.f32 v57, v34  }
0xf6: {  	v51 =	vunpack.i.l.bf16.f32 v51;
	v60 =	vmul.f32 v30, v30;
	v57 =	vld [tilespmem:s7+$0x50];
	v55 =	vsub.f32 $1.500000000e+00, v55;
	[tilespmem:s19+$0x10] =	vst v59  }
0xf7: {  	v43 =	vadd.f32 v48, v43;
	v59 =	vadd.f32 v30, v27;
	v48 =	vld [tilespmem:s15+$0x50];
	v0 =	vmul.f32 v32, v32  }
0xf8: {  	v34 =	vadd.f32 v61, v50;
	v50 =	vld [tilespmem:s7+$0x60];
	v55 =	vmul.f32 v56, v55;
	[tilespmem:s19+$0x0] =	vst v51;
	v51 =	vadd.f32 v38, v52  }
0xf9: {  	v56 =	vadd.f32 v60, v63;
	v52 =	vld [tilespmem:s15+$0x60];
	(xrf2) =	vadd.scan.msk.f32 $0xffff, v43;
	v43 =	vunpack.i.u.bf16.f32 v41;
	v38 =	vadd.f32 v49, v53  }
0xfa: {  	v60 =	vmul.f32 v34, v34;
	v49 =	vld [tilespmem:s7+$0x70];
	v53 =	vmul.f32 v55, v58;
	[tilespmem:s19+$0x30] =	vst v43;
	v43 =	vadd.f32 v51, v54  }
0xfb: {  	v54 =	vadd.f32 v34, v32;
	v58 =	vunpack.i.l.bf16.f32 v41;
	v51 =	vld [tilespmem:s15+$0x70];
	v63 =	vmul.f32 v38, v38  }
0xfc: {  	v61 =	vld [tilespmem:s7+$0xFFFFFF00];
	v41 =	vadd.f32 v48, v57;
	v48 =	vmul.f32 v53, v55;
	[tilespmem:s19+$0x20] =	vst v58;
	v58 =	vimm.s32 $0xF  }
0xfd: {  	v53 =	vadd.f32 v54, v59;
	v0 =	vadd.f32 v60, v0;
	v54 =	vunpack.i.u.bf16.f32 v45;
	(xrf2) =	vadd.scan.msk.f32 $0xffff, v43  }
0xfe: {  	v57 =	vmul.f32 v41, v41;
	v43 =	vadd.f32 v52, v50;
	v48 =	vsub.f32 $1.500000000e+00, v48;
	[tilespmem:s19+$0x50] =	vst v54  }
0xff: {  	v45 =	vunpack.i.l.bf16.f32 v45;
	v50 =	vadd.f32 v41, v38;
	v0 =	vadd.f32 v0, v56  }
0x100: {  	v22 =	vsub.f32 v22, v28;
	v23 =	vsub.f32 v23, v28;
	v48 =	vmul.f32 v48, v55;
	[tilespmem:s19+$0x40] =	vst v45  }
0x101: {  	v52 =	vmul.f32 v43, v43;
	v45 =	vadd.f32 v51, v49;
	v21 =	vadd.f32 v21, v61  }
0x102: {  	v49 =	vadd.f32 v57, v63;
	v22 =	vmul.f32 v48, v22;
	v23 =	vmul.f32 v48, v23  }
0x103: {  	v55 =	vmul.f32 v45, v45;
	v51 =	vmul.f32 v21, v21;
	v54 =	vadd.f32 v10, v21;
	v56, _, _ =	vpop (xrf2)  }
0x104: {  	v57 =	vadd.f32 v45, v43;
	v56 =	vperm.xlane v56, v58;
	v22 =	vpack.i.f32.bf16 v23, v22  }
0x105: {  	v23 =	vadd.f32 v26, v54;
	v24 =	vadd.f32 v24, v51;
	v54 =	vmul.bf16 v22, v4  }
0x106: {  	v50 =	vadd.f32 v57, v50;
	v51 =	vadd.f32 v55, v52;
	v26 =	vmul.f32 $7.812500000e-03, v56  }
0x107: {  	v23 =	vadd.f32 v37, v23;
	v37 =	vmul.f32 v48, v47;
	v47 =	vadd.bf16 v54, v8;
	v22, _, _ =	vpop (xrf2)  }
0x108: {  	v24 =	vadd.f32 v25, v24;
	v25 =	vadd.f32 v50, v53;
	v22 =	vperm.xlane v22, v58  }
0x109: {  	s19 =	sadd.s32 $0x200, s19;
	v49 =	vadd.f32 v51, v49;
	v50 =	vmul.f32 v26, v26;
	v51 =	vunpack.i.u.bf16.f32 v47;
	(xrf2) =	vadd.scan.msk.f32 $0xffff, v23  }
0x10a: {  	v29 =	vsub.f32 v29, v26;
	v23 =	vadd.f32 v39, v24;
	v22 =	vmul.f32 $7.812500000e-03, v22;
	[tilespmem:s19+$0xF0] =	vst v51  }
0x10b: {  	v31 =	vsub.f32 v31, v26;
	v0 =	vadd.f32 v49, v0;
	v24 =	vmul.f32 v48, v62  }
0x10c: {  	v33 =	vsub.f32 v33, v26;
	v22 =	vsub.f32 v22, v50;
	(xrf2) =	vadd.scan.msk.f32 $0xffff, v25;
	v25 =	vunpack.i.u.bf16.f32 v35  }
0x10d: {  	v36 =	vsub.f32 v36, v26;
	v39 =	vsub.f32 v40, v26;
	v24 =	vpack.i.f32.bf16 v24, v37;
	[tilespmem:s20+$0x70] =	vst v25  }
0x10e: {  	v37 =	vsub.f32 v42, v26;
	v24 =	vmul.bf16 v24, v1;
	v22 =	vadd.f32 $9.999999970e-07, v22  }
0x10f: {  	v40 =	vsub.f32 v44, v26;
	v42 =	vsub.f32 v46, v26;
	(xrf2) =	vadd.scan.msk.f32 $0xffff, v23;
	v23 =	vunpack.i.l.bf16.f32 v35  }
0x110: {  	v11 =	vsub.f32 v11, v28;
	v25 =	vshrl.u32 v22, $0x1;
	v26 =	vmul.f32 $5.000000000e-01, v22;
	[tilespmem:s20+$0x60] =	vst v23  }
0x111: {  	v12 =	vsub.f32 v12, v28;
	v13 =	vsub.f32 v13, v28;
	v22 =	vsub.s32 $0x5F3759DF, v25  }
0x112: {  	v14 =	vsub.f32 v14, v28;
	v11 =	vmul.f32 v48, v11;
	v23 =	vmul.f32 v22, v26;
	(xrf2) =	vadd.scan.msk.f32 $0xffff, v0  }
0x113: {  	v12 =	vmul.f32 v48, v12;
	v13 =	vmul.f32 v48, v13;
	v0 =	vadd.bf16 v24, v5;
	v24, _, _ =	vpop (xrf2)  }
0x114: {  	v9 =	vunpack.i.l.bf16.f32 v9;
	v24 =	vperm.xlane v24, v58;
	v23 =	vmul.f32 v22, v23  }
0x115: {  	v35 =	vpack.i.f32.bf16 v12, v11;
	v12 =	vmul.f32 v48, v14;
	v25 =	vunpack.i.u.bf16.f32 v0;
	[tilespmem:s20+$0xC0] =	vst v9;
	s20 =	smov.u32 s19  }
0x116: {  	v9 =	vmul.bf16 v35, v2;
	v28 =	vmul.f32 $7.812500000e-03, v24;
	v14 =	vsub.f32 $1.500000000e+00, v23;
	[tilespmem:s19+$0x90] =	vst v25;
	v11, _, _ =	vpop (xrf2)  }
0x117: {  	v12 =	vpack.i.f32.bf16 v12, v13;
	v0 =	vunpack.i.l.bf16.f32 v0;
	v11 =	vperm.xlane v11, v58  }
0x118: {  	v13 =	vmul.f32 v28, v28;
	v24 =	vsub.f32 v21, v28;
	v35 =	vmul.f32 v22, v14;
	[tilespmem:s19+$0x80] =	vst v0  }
0x119: {  	v25 =	vsub.f32 v10, v28;
	v22 =	vsub.f32 v15, v28;
	v0 =	vmul.f32 $7.812500000e-03, v11;
	v10, _, _ =	vpop (xrf2)  }
0x11a: {  	v21 =	vsub.f32 v17, v28;
	v10 =	vperm.xlane v10, v58;
	v11 =	vmul.f32 v35, v26  }
0x11b: {  	v23 =	vsub.f32 v16, v28;
	v14 =	vsub.f32 v18, v28;
	v17 =	vmul.f32 v0, v0  }
0x11c: {  	v19 =	vsub.f32 v19, v28;
	v10 =	vmul.f32 $7.812500000e-03, v10;
	v11 =	vmul.f32 v11, v35;
	v16, _, _ =	vpop (xrf2)  }
0x11d: {  	v15 =	vsub.f32 v20, v28;
	v18 =	vperm.xlane v16, v58;
	v16 =	vsub.f32 v27, v0  }
0x11e: {  	v26 =	vmul.bf16 v12, v3;
	v10 =	vsub.f32 v10, v13;
	v11 =	vsub.f32 $1.500000000e+00, v11  }
0x11f: {  	v20 =	vsub.f32 v30, v0;
	v12 =	vmul.f32 $7.812500000e-03, v18;
	v18 =	vsub.f32 v32, v0  }
0x120: {  	v13 =	vsub.f32 v34, v0;
	v10 =	vadd.f32 $9.999999970e-07, v10;
	v30 =	vmul.f32 v11, v35  }
0x121: {  	v27 =	vunpack.i.l.bf16.f32 v47;
	v12 =	vsub.f32 v12, v17;
	v17 =	vsub.f32 v38, v0  }
0x122: {  	v11 =	vsub.f32 v41, v0;
	v28 =	vshrl.u32 v10, $0x1;
	v32 =	vmul.f32 $5.000000000e-01, v10;
	[tilespmem:s19+$0xE0] =	vst v27  }
0x123: {  	v28 =	vsub.s32 $0x5F3759DF, v28;
	v27 =	vadd.f32 $9.999999970e-07, v12;
	v12 =	vsub.f32 v43, v0  }
0x124: {  	v35 =	vmul.f32 v30, v29;
	v10 =	vsub.f32 v45, v0;
	v34 =	vmul.f32 v28, v32  }
0x125: {  	v0 =	vmul.f32 v30, v31;
	v29 =	vshrl.u32 v27, $0x1;
	v27 =	vmul.f32 $5.000000000e-01, v27  }
0x126: {  	v33 =	vmul.f32 v30, v33;
	v31 =	vmul.f32 v28, v34;
	v29 =	vsub.s32 $0x5F3759DF, v29  }
0x127: {  	v0 =	vpack.i.f32.bf16 v0, v35;
	v34 =	vmul.f32 v30, v36;
	v35 =	vmul.f32 v29, v27  }
.Ltmp0:
0x128: {  	v37 =	vmul.f32 v30, v37;
	v36 =	vmul.f32 v30, v39;
	v31 =	vsub.f32 $1.500000000e+00, v31;
	(pc) =	sbr.rel @p2 .LBB2_3-.Ltmp0, $4  }
0x129: {  	v38 =	vmul.f32 v30, v40;
	v33 =	vpack.i.f32.bf16 v34, v33;
	v34 =	vmul.f32 v29, v35  }
0x12a: {  	v35 =	vpack.i.f32.bf16 v37, v36;
	v36 =	vmul.f32 v30, v42;
	v28 =	vmul.f32 v28, v31  }
0x12b: {  	v30 =	vmul.bf16 v33, v2;
	v31 =	vmul.bf16 v0, v1;
	v34 =	vsub.f32 $1.500000000e+00, v34  }
0x12c: {  	s7 =	sadd.s32 $0x200, s7;
	v33 =	vmul.f32 v28, v32;
	v32 =	vmul.bf16 v35, v3;
	v35 =	vpack.i.f32.bf16 v36, v38  }
0x12d: {  	_ = 	snop  }
0x12e: {  	v0 =	vmul.bf16 v35, v4;
	v31 =	vadd.bf16 v31, v5;
	v33 =	vmul.f32 v33, v28  }
0x12f: {  	v29 =	vmul.f32 v29, v34;
	v30 =	vadd.bf16 v30, v6;
	v9 =	vadd.bf16 v9, v6  }
0x130: {  	v32 =	vadd.bf16 v32, v7;
	v33 =	vsub.f32 $1.500000000e+00, v33  }
0x131: {  	v0 =	vadd.bf16 v0, v8;
	v27 =	vmul.f32 v29, v27;
	v39 =	vunpack.i.u.bf16.f32 v31  }
0x132: {  	v31 =	vunpack.i.l.bf16.f32 v31;
	v40 =	vunpack.i.u.bf16.f32 v30;
	v28 =	vmul.f32 v33, v28  }
0x133: {  	v30 =	vunpack.i.l.bf16.f32 v30;
	[tilespmem:s19+$0xFFFFFF80] =	vst v31;
	v31 =	vunpack.i.u.bf16.f32 v32;
	v32 =	vunpack.i.l.bf16.f32 v32  }
0x134: {  	[tilespmem:s19+$0xFFFFFFA0] =	vst v30;
	v27 =	vmul.f32 v27, v29;
	v30 =	vunpack.i.u.bf16.f32 v0;
	v24 =	vmul.f32 v28, v24  }
0x135: {  	[tilespmem:s19+$0xFFFFFF90] =	vst v39;
	v0 =	vunpack.i.l.bf16.f32 v0;
	v25 =	vmul.f32 v28, v25;
	v22 =	vmul.f32 v28, v22  }
0x136: {  	[tilespmem:s19+$0xFFFFFFB0] =	vst v40;
	v27 =	vsub.f32 $1.500000000e+00, v27;
	v21 =	vmul.f32 v28, v21;
	v23 =	vmul.f32 v28, v23  }
0x137: {  	[tilespmem:s19+$0xFFFFFFE0] =	vst v0;
	v0 =	vunpack.i.l.bf16.f32 v9;
	v14 =	vmul.f32 v28, v14;
	v19 =	vmul.f32 v28, v19  }
0x138: {  	[tilespmem:s19+$0xFFFFFFC0] =	vst v32;
	v15 =	vmul.f32 v28, v15;
	v27 =	vmul.f32 v27, v29;
	v24 =	vpack.i.f32.bf16 v25, v24  }
0x139: {  	[tilespmem:s19+$0xFFFFFFD0] =	vst v31;
	v29 =	vunpack.i.u.bf16.f32 v9;
	v9 =	vpack.i.f32.bf16 v21, v22;
	v21 =	vmul.bf16 v24, v1  }
0x13a: {  	v26 =	vadd.bf16 v26, v7;
	[tilespmem:s19+$0xFFFFFFF0] =	vst v30;
	v14 =	vpack.i.f32.bf16 v14, v23;
	v15 =	vpack.i.f32.bf16 v15, v19  }
0x13b: {  	[tilespmem:s19+$0xA0] =	vst v0;
	v16 =	vmul.f32 v27, v16;
	v0 =	vmul.bf16 v9, v2;
	v9 =	vadd.bf16 v21, v5  }
0x13c: {  	[tilespmem:s19+$0xB0] =	vst v29;
	v19 =	vunpack.i.u.bf16.f32 v26;
	v20 =	vmul.f32 v27, v20;
	v18 =	vmul.f32 v27, v18  }
0x13d: {  	v14 =	vmul.bf16 v14, v3;
	[tilespmem:s19+$0xD0] =	vst v19;
	v0 =	vadd.bf16 v0, v6;
	v19 =	vunpack.i.u.bf16.f32 v9  }
0x13e: {  	v13 =	vmul.f32 v27, v13;
	v17 =	vmul.f32 v27, v17;
	v9 =	vunpack.i.l.bf16.f32 v9;
	[tilespmem:s19+$0xFFFFFF10] =	vst v19  }
0x13f: {  	v15 =	vmul.bf16 v15, v4;
	v14 =	vadd.bf16 v14, v7;
	[tilespmem:s19+$0xFFFFFF00] =	vst v9;
	v9 =	vunpack.i.u.bf16.f32 v0  }
0x140: {  	v11 =	vmul.f32 v27, v11;
	v16 =	vpack.i.f32.bf16 v20, v16;
	v0 =	vunpack.i.l.bf16.f32 v0;
	[tilespmem:s19+$0xFFFFFF30] =	vst v9  }
0x141: {  	v15 =	vadd.bf16 v15, v8;
	v9 =	vmul.bf16 v16, v1;
	[tilespmem:s19+$0xFFFFFF20] =	vst v0;
	v0 =	vunpack.i.u.bf16.f32 v14  }
0x142: {  	v12 =	vmul.f32 v27, v12;
	v13 =	vpack.i.f32.bf16 v13, v18;
	[tilespmem:s19+$0xFFFFFF50] =	vst v0;
	v0 =	vunpack.i.l.bf16.f32 v14  }
0x143: {  	v13 =	vmul.bf16 v13, v2;
	v9 =	vadd.bf16 v9, v5;
	[tilespmem:s19+$0xFFFFFF40] =	vst v0;
	v0 =	vunpack.i.u.bf16.f32 v15  }
0x144: {  	v10 =	vmul.f32 v27, v10;
	v11 =	vpack.i.f32.bf16 v11, v17;
	[tilespmem:s19+$0xFFFFFF70] =	vst v0;
	v0 =	vunpack.i.l.bf16.f32 v15  }
0x145: {  	v11 =	vmul.bf16 v11, v3;
	v13 =	vadd.bf16 v13, v6;
	[tilespmem:s19+$0xFFFFFF60] =	vst v0;
	v0 =	vunpack.i.u.bf16.f32 v9  }
0x146: {  	v10 =	vpack.i.f32.bf16 v10, v12;
	[tilespmem:s19+$0x10] =	vst v0;
	v0 =	vunpack.i.l.bf16.f32 v9  }
0x147: {  	v9 =	vmul.bf16 v10, v4;
	v10 =	vadd.bf16 v11, v7;
	[tilespmem:s19+$0x0] =	vst v0;
	v0 =	vunpack.i.u.bf16.f32 v13  }
0x148: {  	[tilespmem:s19+$0x30] =	vst v0;
	v0 =	vunpack.i.l.bf16.f32 v13  }
0x149: {  	v9 =	vadd.bf16 v9, v8;
	[tilespmem:s19+$0x20] =	vst v0;
	v0 =	vunpack.i.u.bf16.f32 v10  }
0x14a: {  	[tilespmem:s19+$0x50] =	vst v0;
	v0 =	vunpack.i.l.bf16.f32 v10  }
0x14b: {  	s7 =	sshll.u32 s1, $0xF;
	[tilespmem:s19+$0x40] =	vst v0;
	v0 =	vunpack.i.u.bf16.f32 v9  }
0x14c: {  	s7 =	sadd.s32 s11, s7;
	[tilespmem:s20+$0x70] =	vst v0;
	v0 =	vunpack.i.l.bf16.f32 v9  }
0x14d: {  	s7 =	sshrl.u32 s7, $0x3;
	[tilespmem:s20+$0x60] =	vst v0;
	v0 =	vunpack.i.l.bf16.f32 v26  }
0x14e: {  	p2 =	seq.s32 s1, $0x18;
	s7 =	sadd.s32 s4, s7;
	[tilespmem:s20+$0xC0] =	vst v0  }
0x14f: {  	[hbm4b:s7+s6] =	stream.linear.scatter [tilespmem:s25], [sflag:$0x5], $0x4000, $0x38;
	[tilespmem:$0x1C580] =	vst v63  }
0x150: {  	s15 =	simm.s32 @!p2 $0x80;
	s16 =	simm.s32 @!p2 $0x3800;
	s7 =	sadd.s32 @!p2 $0x100, s13  }
0x151: {  	[tilespmem:s16], [sflag:$0x1] =	stream.indirect.gather @!p2 [hbm4b:s0+s15], $0x80, s7, s15, $0xb8;
	[tilespmem:$0x1C580] =	vst v63  }
0x152: {  	s7 =	sadd.s32 @!p2 $0x1D00, s13;
	s13 =	simm.s32 @!p2 $0xB800  }
0x153: {  	[tilespmem:s13], [sflag:$0x3] =	stream.indirect.gather @!p2 [spmem:s5], $0x80, s7, s15, $0xb8;
	[tilespmem:$0x1C580] =	vst v63  }
0x154: {  	_ =	swait.ge [sflag:s26], $0x4000  }
0x155: {  	[sflag:s26] =	ssyncset.done $0x0  }
0x156: {  	[sflag:s26] =	ssyncadd.s32 $0xFFFFC000  }
0x157: {  	_ =	swait.ge [sflag:s28], $0x4000  }
0x158: {  	[sflag:s28] =	ssyncset.done $0x0  }
0x159: {  	s7 =	simm.s32 @!p1 $0x6;
	[sflag:s28] =	ssyncadd.s32 $0xFFFFC000  }
0x15a: {  	_ =	swait.ge @!p1 [sflag:s7], $0x4000  }
0x15b: {  	[sflag:s7] =	ssyncset.done @!p1 $0x0  }
0x15c: {  	s20 =	simm.s32 $0x7900;
	[sflag:s7] =	ssyncadd.s32 @!p1 $0xFFFFC000  }
0x15d: {  	s13 =	simm.s32 $0xF900;
	v0 =	vld [tilespmem:s20+$0x80]  }
0x15e: {  	v9 =	vld [tilespmem:s13+$0x80]  }
0x15f: {  	v10 =	vld [tilespmem:s20+$0x90]  }
0x160: {  	v11 =	vld [tilespmem:s13+$0x90]  }
0x161: {  	v12 =	vld [tilespmem:s20+$0xA0]  }
0x162: {  	v13 =	vld [tilespmem:s13+$0xA0]  }
0x163: {  	v14 =	vld [tilespmem:s20+$0xB0]  }
0x164: {  	v15 =	vld [tilespmem:s13+$0xB0]  }
0x165: {  	v16 =	vld [tilespmem:s20+$0xC0]  }
0x166: {  	v17 =	vld [tilespmem:s13+$0xC0]  }
0x167: {  	v18 =	vld [tilespmem:s20+$0xD0]  }
0x168: {  	v19 =	vld [tilespmem:s13+$0xD0]  }
0x169: {  	v21 =	vld [tilespmem:s20+$0xE0]  }
0x16a: {  	v22 =	vld [tilespmem:s13+$0xE0]  }
0x16b: {  	v23 =	vld [tilespmem:s20+$0xF0]  }
0x16c: {  	v25 =	vld [tilespmem:s13+$0xF0]  }
0x16d: {  	v26 =	vld [tilespmem:s20+$0xFFFFFF10]  }
0x16e: {  	v27 =	vld [tilespmem:s13+$0xFFFFFF10]  }
0x16f: {  	v28 =	vld [tilespmem:s13+$0xFFFFFF30];
	v0 =	vadd.f32 v9, v0  }
0x170: {  	v41 =	vld [tilespmem:s20+$0xFFFFFF40];
	v24 =	vadd.f32 v11, v10;
	v9 =	vadd.f32 v13, v12  }
0x171: {  	v44 =	vld [tilespmem:s13+$0xFFFFFF40];
	v10 =	vadd.f32 v15, v14;
	v11 =	vadd.f32 v17, v16  }
0x172: {  	v45 =	vld [tilespmem:s20+$0xFFFFFF80];
	v12 =	vadd.f32 v19, v18;
	v21 =	vadd.f32 v22, v21;
	v14 =	vmul.f32 v0, v0  }
0x173: {  	v46 =	vld [tilespmem:s13+$0xFFFFFF80];
	v22 =	vadd.f32 v25, v23;
	v16 =	vmul.f32 v24, v24;
	v17 =	vmul.f32 v9, v9  }
0x174: {  	v49 =	vld [tilespmem:s20+$0xFFFFFFB0];
	v19 =	vmul.f32 v10, v10;
	v23 =	vadd.f32 v24, v0;
	v25 =	vadd.f32 v10, v9  }
0x175: {  	v39 =	vld [tilespmem:s13+$0xFFFFFFB0];
	v29 =	vmul.f32 v11, v11;
	v30 =	vadd.f32 v12, v11;
	v31 =	vadd.f32 v22, v21  }
0x176: {  	v53 =	vld [tilespmem:s20+$0xFFFFFFD0];
	v42 =	vmul.f32 v12, v12;
	v43 =	vmul.f32 v21, v21  }
0x177: {  	v54 =	vld [tilespmem:s13+$0xFFFFFFD0];
	v36 =	vmul.f32 v22, v22;
	v23 =	vadd.f32 v25, v23;
	v25 =	vadd.f32 v31, v30  }
0x178: {  	v13 =	vld [tilespmem:s20+$0xFFFFFF20];
	v14 =	vadd.f32 v16, v14;
	v16 =	vadd.f32 v19, v17  }
0x179: {  	v15 =	vld [tilespmem:s13+$0xFFFFFF20];
	v19 =	vadd.f32 v42, v29;
	v29 =	vadd.f32 v36, v43  }
0x17a: {  	v18 =	vld [tilespmem:s20+$0xFFFFFF30];
	v23 =	vadd.f32 v25, v23  }
0x17b: {  	v30 =	vld [tilespmem:s20+$0xFFFFFF50];
	v14 =	vadd.f32 v16, v14;
	v16 =	vadd.f32 v29, v19  }
0x17c: {  	v17 =	vld [tilespmem:s13+$0xFFFFFF50]  }
0x17d: {  	v31 =	vld [tilespmem:s20+$0xFFFFFF60];
	(xrf2) =	vadd.scan.msk.f32 $0xffff, v23;
	v14 =	vadd.f32 v16, v14  }
0x17e: {  	v25 =	vld [tilespmem:s13+$0xFFFFFF60]  }
0x17f: {  	v29 =	vld [tilespmem:s20+$0xFFFFFF70];
	(xrf2) =	vadd.scan.msk.f32 $0xffff, v14  }
0x180: {  	v35 =	vadd.f32 v39, v49;
	v23 =	vld [tilespmem:s13+$0xFFFFFF70]  }
0x181: {  	v47 =	vld [tilespmem:s20+$0xFFFFFF90];
	v36 =	vadd.f32 v54, v53;
	v19 =	vadd.f32 v27, v26  }
0x182: {  	v37 =	vld [tilespmem:s13+$0xFFFFFF90];
	v17 =	vadd.f32 v17, v30;
	v14 =	vadd.f32 v15, v13  }
0x183: {  	v27 =	vld [tilespmem:s13+$0xFFFFFFA0];
	v13 =	vadd.f32 v28, v18;
	v15 =	vadd.f32 v44, v41  }
0x184: {  	v28 =	vld [tilespmem:s20+$0xFFFFFFA0];
	v18 =	vadd.f32 v25, v31;
	v25 =	vadd.f32 v46, v45  }
0x185: {  	v51 =	vld [tilespmem:s13+$0xFFFFFFC0];
	v38 =	vmul.f32 v15, v15;
	v16 =	vadd.f32 v23, v29;
	v23 =	vmul.f32 v17, v17  }
0x186: {  	v60 =	vld [tilespmem:s20+$0xFFFFFFE0];
	v26 =	vmul.f32 v14, v14;
	v48 =	vmul.f32 v13, v13;
	v40 =	vadd.f32 v17, v15  }
0x187: {  	v62 =	vld [tilespmem:s20+$0xFFFFFFF0];
	v52 =	vadd.f32 v23, v38;
	v23 =	vadd.f32 v16, v18;
	v31, _, _ =	vpop (xrf2)  }
0x188: {  	v50 =	vmul.f32 v18, v18;
	v29 =	vadd.f32 v48, v26;
	v26 =	vld [tilespmem:s20+$0xFFFFFFC0];
	v42 =	vperm.xlane v31, v58  }
0x189: {  	v41 =	vmul.f32 v16, v16;
	v44 =	vadd.f32 v27, v28;
	v27 =	vld [tilespmem:s13+$0xFFFFFFE0];
	v40 =	vadd.f32 v23, v40;
	v59, _, _ =	vpop (xrf2)  }
0x18a: {  	v55 =	vld [tilespmem:s13+$0xFFFFFFF0];
	v31 =	vadd.f32 v37, v47;
	v23 =	vmul.f32 $7.812500000e-03, v42;
	v37 =	vperm.xlane v59, v58  }
0x18b: {  	v30 =	vadd.f32 v13, v14;
	v43 =	vmul.f32 v25, v25;
	v32 =	vadd.f32 v41, v50  }
0x18c: {  	v57 =	vadd.f32 v35, v44;
	v37 =	vmul.f32 $7.812500000e-03, v37;
	v45 =	vmul.f32 v23, v23  }
0x18d: {  	v20 =	vld [tilespmem:s13+$0xFFFFFF00];
	v56 =	vmul.f32 v44, v44;
	v34 =	vadd.f32 v32, v52;
	v33 =	vadd.f32 v51, v26  }
0x18e: {  	v49 =	vld [tilespmem:s13+$0x20];
	v47 =	vmul.f32 v35, v35;
	v41 =	vadd.f32 v27, v60;
	v37 =	vsub.f32 v37, v45  }
0x18f: {  	v46 =	vld [tilespmem:s13+$0x0];
	v61 =	vmul.f32 v31, v31;
	v28 =	vadd.f32 v31, v25;
	v42 =	vadd.f32 v55, v62  }
0x190: {  	v38 =	vld [tilespmem:s20+$0x10];
	v48 =	vmul.f32 v33, v33;
	v50 =	vadd.f32 v36, v33;
	v37 =	vadd.f32 $9.999999970e-07, v37  }
0x191: {  	v26 =	vld [tilespmem:s20+$0x0];
	v62 =	vmul.f32 v41, v41;
	v63 =	vadd.f32 v61, v43;
	v0 =	vsub.f32 v0, v23  }
0x192: {  	v51 =	vld [tilespmem:s20+$0x30];
	v53 =	vadd.f32 v42, v41;
	v60 =	vshrl.u32 v37, $0x1;
	v37 =	vmul.f32 $5.000000000e-01, v37  }
0x193: {  	v27 =	vld [tilespmem:s13+$0x10];
	v28 =	vadd.f32 v57, v28;
	v43 =	vadd.f32 v47, v56;
	v45 =	vsub.s32 $0x5F3759DF, v60  }
0x194: {  	v59 =	vld [tilespmem:s20+$0x20];
	v61 =	vmul.f32 v36, v36;
	v50 =	vadd.f32 v53, v50;
	v52 =	vmul.f32 v45, v37  }
0x195: {  	v55 =	vld [tilespmem:s13+$0x30];
	v54 =	vmul.f32 v42, v42;
	v24 =	vsub.f32 v24, v23;
	v21 =	vsub.f32 v21, v23  }
0x196: {  	v56 =	vld [tilespmem:s20+$0xFFFFFF00];
	v39 =	vadd.f32 v43, v63;
	v50 =	vadd.f32 v50, v28;
	v52 =	vmul.f32 v45, v52  }
0x197: {  	v47 =	vadd.f32 v61, v48;
	v48 =	vld [tilespmem:s20+$0x40];
	v43 =	vadd.f32 v54, v62  }
0x198: {  	v22 =	vsub.f32 v22, v23;
	v63 =	vld [tilespmem:s13+$0x40];
	(xrf2) =	vadd.scan.msk.f32 $0xffff, v50;
	v52 =	vsub.f32 $1.500000000e+00, v52  }
0x199: {  	v26 =	vadd.f32 v46, v26;
	v53 =	vld [tilespmem:s20+$0x50];
	v43 =	vadd.f32 v43, v47  }
0x19a: {  	v9 =	vsub.f32 v9, v23;
	v27 =	vadd.f32 v27, v38;
	v38 =	vld [tilespmem:s13+$0x50];
	v45 =	vmul.f32 v45, v52  }
0x19b: {  	v57 =	vmul.f32 v26, v26;
	v32 =	vadd.f32 v55, v51;
	v51 =	vld [tilespmem:s13+$0x60];
	v39 =	vadd.f32 v43, v39  }
0x19c: {  	v28 =	vadd.f32 v49, v59;
	v49 =	vld [tilespmem:s20+$0x60];
	v59 =	vmul.f32 v27, v27;
	v37 =	vmul.f32 v45, v37  }
0x19d: {  	v61 =	vmul.f32 v32, v32;
	v20 =	vadd.f32 v20, v56;
	v50 =	vadd.f32 v27, v26;
	(xrf2) =	vadd.scan.msk.f32 $0xffff, v39  }
0x19e: {  	v55 =	vld [tilespmem:s20+$0x70];
	v62 =	vadd.f32 v32, v28;
	v60 =	vadd.f32 v59, v57;
	v37 =	vmul.f32 v37, v45  }
0x19f: {  	v46 =	vadd.f32 v63, v48;
	v63 =	vld [tilespmem:s13+$0x70];
	v38 =	vadd.f32 v38, v53;
	v52 =	vmul.f32 v28, v28  }
0x1a0: {  	v39 =	vmul.f32 v19, v19;
	v50 =	vadd.f32 v62, v50;
	v37 =	vsub.f32 $1.500000000e+00, v37  }
0x1a1: {  	v57 =	vmul.f32 v46, v46;
	v49 =	vadd.f32 v51, v49;
	v47 =	vadd.f32 v61, v52  }
0x1a2: {  	v59 =	vmul.f32 v38, v38;
	v53 =	vadd.f32 v38, v46;
	v62, _, _ =	vpop (xrf2);
	v37 =	vmul.f32 v37, v45  }
0x1a3: {  	v61 =	vadd.f32 v19, v20;
	v54 =	vperm.xlane v62, v58;
	v43 =	vadd.f32 v47, v60  }
0x1a4: {  	v47 =	vadd.f32 v63, v55;
	v21 =	vmul.f32 v37, v21;
	v22 =	vmul.f32 v37, v22  }
0x1a5: {  	v51 =	vadd.f32 v59, v57;
	v60 =	vmul.f32 v49, v49;
	v63 =	vmul.f32 v20, v20  }
0x1a6: {  	v21 =	vpack.i.f32.bf16 v22, v21;
	v22 =	vadd.f32 v30, v61;
	v30 =	vmul.f32 v47, v47  }
0x1a7: {  	v57, _, _ =	vpop (xrf2);
	v48 =	vmul.f32 $7.812500000e-03, v54;
	v55 =	vadd.f32 v47, v49;
	v39 =	vadd.f32 v39, v63  }
0x1a8: {  	v59 =	vperm.xlane v57, v58;
	v22 =	vadd.f32 v40, v22;
	v30 =	vadd.f32 v30, v60  }
0x1a9: {  	v62 =	vsub.f32 v25, v48;
	v56 =	vadd.f32 v55, v53;
	v21 =	vmul.bf16 v21, v4  }
0x1aa: {  	v61 =	vmul.f32 v48, v48;
	(xrf2) =	vadd.scan.msk.f32 $0xffff, v22;
	v22 =	vadd.f32 v30, v51;
	v30 =	vmul.f32 $7.812500000e-03, v59  }
0x1ab: {  	v29 =	vadd.f32 v29, v39;
	v60 =	vadd.bf16 v21, v8  }
0x1ac: {  	v21 =	vadd.f32 v56, v50;
	v25 =	vsub.f32 v30, v61  }
0x1ad: {  	v10 =	vsub.f32 v10, v23;
	v29 =	vadd.f32 v34, v29  }
0x1ae: {  	v0 =	vmul.f32 v37, v0;
	v24 =	vmul.f32 v37, v24;
	(xrf2) =	vadd.scan.msk.f32 $0xffff, v21;
	v21 =	vadd.f32 $9.999999970e-07, v25  }
0x1af: {  	v11 =	vsub.f32 v11, v23;
	v12 =	vsub.f32 v12, v23  }
0x1b0: {  	v0 =	vpack.i.f32.bf16 v24, v0;
	(xrf2) =	vadd.scan.msk.f32 $0xffff, v29;
	v24 =	vshrl.u32 v21, $0x1;
	v29 =	vmul.f32 $5.000000000e-01, v21  }
0x1b1: {  	v31 =	vsub.f32 v31, v48;
	v22 =	vadd.f32 v22, v43;
	v21 =	vsub.s32 $0x5F3759DF, v24  }
0x1b2: {  	v63 =	vsub.f32 v44, v48;
	v35 =	vsub.f32 v35, v48;
	v24 =	vmul.f32 v21, v29  }
0x1b3: {  	v33 =	vsub.f32 v33, v48;
	v9 =	vmul.f32 v37, v9;
	v10 =	vmul.f32 v37, v10  }
0x1b4: {  	v36 =	vsub.f32 v36, v48;
	v0 =	vmul.bf16 v0, v1;
	(xrf2) =	vadd.scan.msk.f32 $0xffff, v22;
	v23 =	vmul.f32 v21, v24  }
0x1b5: {  	v11 =	vmul.f32 v37, v11;
	v9 =	vpack.i.f32.bf16 v10, v9;
	v10 =	vmul.f32 v37, v12;
	v22, _, _ =	vpop (xrf2)  }
0x1b6: {  	v41 =	vsub.f32 v41, v48;
	v0 =	vadd.bf16 v0, v5;
	v22 =	vperm.xlane v22, v58  }
0x1b7: {  	v42 =	vsub.f32 v42, v48;
	v9 =	vmul.bf16 v9, v2;
	v10 =	vpack.i.f32.bf16 v10, v11  }
0x1b8: {  	v48 =	vunpack.i.u.bf16.f32 v0;
	v12 =	vmul.f32 $7.812500000e-03, v22;
	v22 =	vsub.f32 $1.500000000e+00, v23;
	v23, _, _ =	vpop (xrf2)  }
0x1b9: {  	v0 =	vunpack.i.l.bf16.f32 v0;
	v52 =	vunpack.i.l.bf16.f32 v60;
	v23 =	vperm.xlane v23, v58  }
0x1ba: {  	v24 =	vsub.f32 v20, v12;
	v50 =	vmul.f32 v21, v22;
	v25 =	vsub.f32 v19, v12  }
0x1bb: {  	v11 =	vmul.f32 v12, v12;
	v22 =	vsub.f32 v14, v12;
	v14, _, _ =	vpop (xrf2);
	v21 =	vsub.f32 v13, v12  }
0x1bc: {  	v19 =	vperm.xlane v14, v58;
	v14 =	vsub.f32 v17, v12;
	v13 =	vmul.f32 v50, v29  }
0x1bd: {  	v51 =	vmul.f32 $7.812500000e-03, v23;
	v23 =	vsub.f32 v15, v12;
	v15 =	vsub.f32 v16, v12  }
0x1be: {  	v20 =	vmul.f32 $7.812500000e-03, v19;
	v19 =	vsub.f32 v18, v12;
	v18, _, _ =	vpop (xrf2);
	v13 =	vmul.f32 v13, v50  }
0x1bf: {  	v17 =	vmul.f32 v51, v51;
	v12 =	vperm.xlane v18, v58;
	v16 =	vsub.f32 v26, v51  }
0x1c0: {  	v26 =	vmul.bf16 v10, v3;
	v11 =	vsub.f32 v20, v11;
	v13 =	vsub.f32 $1.500000000e+00, v13  }
0x1c1: {  	v18 =	vsub.f32 v28, v51;
	v20 =	vsub.f32 v27, v51;
	v10 =	vmul.f32 $7.812500000e-03, v12  }
0x1c2: {  	v11 =	vadd.f32 $9.999999970e-07, v11;
	v37 =	vmul.f32 v13, v50;
	v13 =	vsub.f32 v32, v51  }
0x1c3: {  	v30 =	vunpack.i.u.bf16.f32 v60;
	v10 =	vsub.f32 v10, v17;
	v17 =	vsub.f32 v46, v51  }
0x1c4: {  	v12 =	vshrl.u32 v11, $0x1;
	v53 =	vmul.f32 $5.000000000e-01, v11;
	v11 =	vsub.f32 v38, v51  }
0x1c5: {  	v28 =	vsub.s32 $0x5F3759DF, v12;
	v27 =	vadd.f32 $9.999999970e-07, v10;
	v34 =	vmul.f32 v37, v62  }
0x1c6: {  	v12 =	vsub.f32 v49, v51;
	v31 =	vmul.f32 v37, v31;
	v29 =	vmul.f32 v28, v53  }
0x1c7: {  	v39 =	vmul.f32 v37, v63;
	v54 =	vshrl.u32 v27, $0x1;
	v27 =	vmul.f32 $5.000000000e-01, v27  }
0x1c8: {  	v56 =	vmul.f32 v37, v35;
	v55 =	vmul.f32 v28, v29;
	v29 =	vsub.s32 $0x5F3759DF, v54  }
0x1c9: {  	v10 =	vsub.f32 v47, v51;
	v33 =	vmul.f32 v37, v33;
	v57 =	vmul.f32 v29, v27  }
0x1ca: {  	s15 =	simm.s32 $0x17900;
	v36 =	vmul.f32 v37, v36;
	v60 =	vmul.f32 v37, v41;
	v59 =	vsub.f32 $1.500000000e+00, v55  }
0x1cb: {  	[tilespmem:s15+$0x90] =	vst v48;
	v63 =	vmul.f32 v37, v42;
	v31 =	vpack.i.f32.bf16 v31, v34;
	v61 =	vmul.f32 v29, v57  }
0x1cc: {  	[tilespmem:s15+$0xF0] =	vst v30;
	v30 =	vpack.i.f32.bf16 v56, v39;
	v62 =	vpack.i.f32.bf16 v36, v33;
	v28 =	vmul.f32 v28, v59  }
0x1cd: {  	s2 =	sadd.s32 s8, s2;
	[tilespmem:s15+$0x80] =	vst v0;
	v31 =	vmul.bf16 v31, v1;
	v30 =	vmul.bf16 v30, v2;
	v34 =	vsub.f32 $1.500000000e+00, v61  }
0x1ce: {  	s19 =	simm.s32 $0x17900;
	s16 =	simm.s32 $0x0;
	s7 =	simm.s32 $0x7B00;
	[tilespmem:s15+$0xE0] =	vst v52;
	v35 =	vpack.i.f32.bf16 v63, v60;
	v32 =	vmul.bf16 v62, v3;
	v33 =	vmul.f32 v28, v53  }
.LBB2_5:
0x1cf: {  	v0 =	vld [tilespmem:s7+$0x80];
	v31 =	vadd.bf16 v31, v5;
	v35 =	vmul.bf16 v35, v4;
	v29 =	vmul.f32 v29, v34;
	s13 =	sadd.s32 $0x200, s13  }
0x1d0: {  	v30 =	vadd.bf16 v30, v6;
	v34 =	vld [tilespmem:s13+$0x80];
	v33 =	vmul.f32 v33, v28;
	v32 =	vadd.bf16 v32, v7  }
0x1d1: {  	v37 =	vadd.bf16 v9, v6;
	v36 =	vld [tilespmem:s7+$0x90];
	v35 =	vadd.bf16 v35, v8;
	v27 =	vmul.f32 v29, v27  }
0x1d2: {  	v9 =	vadd.bf16 v26, v7;
	v39 =	vunpack.i.u.bf16.f32 v31;
	v38 =	vld [tilespmem:s13+$0x90];
	v33 =	vsub.f32 $1.500000000e+00, v33  }
0x1d3: {  	v31 =	vunpack.i.l.bf16.f32 v31;
	v26 =	vld [tilespmem:s7+$0xA0];
	[tilespmem:s15+$0xFFFFFF90] =	vst v39;
	v39 =	vunpack.i.u.bf16.f32 v30;
	v27 =	vmul.f32 v27, v29  }
0x1d4: {  	v30 =	vunpack.i.l.bf16.f32 v30;
	v40 =	vld [tilespmem:s13+$0xA0];
	v28 =	vmul.f32 v33, v28;
	[tilespmem:s15+$0xFFFFFF80] =	vst v31;
	v31 =	vunpack.i.u.bf16.f32 v32  }
0x1d5: {  	v33 =	vld [tilespmem:s7+$0xB0];
	[tilespmem:s15+$0xFFFFFFA0] =	vst v30;
	v30 =	vunpack.i.l.bf16.f32 v32;
	v32 =	vunpack.i.u.bf16.f32 v35;
	v27 =	vsub.f32 $1.500000000e+00, v27  }
0x1d6: {  	v35 =	vunpack.i.l.bf16.f32 v35;
	v41 =	vld [tilespmem:s13+$0xB0];
	v24 =	vmul.f32 v28, v24;
	v25 =	vmul.f32 v28, v25;
	[tilespmem:s15+$0xFFFFFFB0] =	vst v39  }
0x1d7: {  	v22 =	vmul.f32 v28, v22;
	v39 =	vld [tilespmem:s7+$0xC0];
	[tilespmem:s15+$0xFFFFFFC0] =	vst v30;
	v27 =	vmul.f32 v27, v29;
	v29 =	vunpack.i.u.bf16.f32 v37  }
0x1d8: {  	v21 =	vmul.f32 v28, v21;
	v23 =	vmul.f32 v28, v23;
	v42 =	vld [tilespmem:s13+$0xC0];
	v24 =	vpack.i.f32.bf16 v25, v24;
	[tilespmem:s15+$0xFFFFFFD0] =	vst v31  }
0x1d9: {  	v14 =	vmul.f32 v28, v14;
	v19 =	vmul.f32 v28, v19;
	v30 =	vunpack.i.l.bf16.f32 v37;
	v25 =	vld [tilespmem:s7+$0xD0];
	[tilespmem:s15+$0xFFFFFFE0] =	vst v35  }
0x1da: {  	v15 =	vmul.f32 v28, v15;
	v22 =	vpack.i.f32.bf16 v21, v22;
	v16 =	vmul.f32 v27, v16;
	v31 =	vld [tilespmem:s13+$0xD0];
	[tilespmem:s15+$0xFFFFFFF0] =	vst v32  }
0x1db: {  	v14 =	vpack.i.f32.bf16 v14, v23;
	v20 =	vmul.f32 v27, v20;
	v18 =	vmul.f32 v27, v18;
	v28 =	vld [tilespmem:s7+$0xE0];
	[tilespmem:s15+$0xA0] =	vst v30  }
0x1dc: {  	v15 =	vpack.i.f32.bf16 v15, v19;
	v13 =	vmul.f32 v27, v13;
	v17 =	vmul.f32 v27, v17;
	v23 =	vld [tilespmem:s13+$0xE0];
	[tilespmem:s15+$0xB0] =	vst v29  }
0x1dd: {  	v11 =	vmul.f32 v27, v11;
	v12 =	vmul.f32 v27, v12;
	v16 =	vpack.i.f32.bf16 v20, v16;
	v19 =	vld [tilespmem:s7+$0xF0]  }
0x1de: {  	v10 =	vmul.f32 v27, v10;
	v18 =	vpack.i.f32.bf16 v13, v18;
	v29 =	vmul.bf16 v24, v1;
	v20 =	vld [tilespmem:s13+$0xF0]  }
0x1df: {  	v27 =	vadd.f32 v34, v0;
	v0 =	vmul.bf16 v22, v2;
	v32 =	vpack.i.f32.bf16 v11, v17;
	v21 =	vld [tilespmem:s13+$0xFFFFFF00]  }
0x1e0: {  	s16 =	sadd.s32 $0x4, s16;
	v30 =	vadd.f32 v38, v36;
	v11 =	vadd.f32 v40, v26;
	v26 =	vpack.i.f32.bf16 v10, v12;
	v17 =	vld [tilespmem:s7+$0xFFFFFF10]  }
0x1e1: {  	p1 =	slt.u32 s16, $0x7C;
	v12 =	vadd.f32 v41, v33;
	v33 =	vmul.bf16 v14, v3;
	v13 =	vadd.f32 v42, v39;
	v10 =	vld [tilespmem:s13+$0xFFFFFF10]  }
0x1e2: {  	v35 =	vmul.f32 v27, v27;
	v14 =	vadd.f32 v31, v25;
	v22 =	vadd.f32 v23, v28;
	v34 =	vld [tilespmem:s7+$0xFFFFFF20]  }
0x1e3: {  	v31 =	vmul.f32 v11, v11;
	v28 =	vmul.f32 v30, v30;
	v25 =	vld [tilespmem:s13+$0xFFFFFF20];
	v23 =	vadd.f32 v20, v19  }
0x1e4: {  	v24 =	vadd.f32 v30, v27;
	v36 =	vadd.f32 v12, v11;
	v20 =	vmul.f32 v12, v12;
	v19 =	vld [tilespmem:s7+$0xFFFFFF30]  }
0x1e5: {  	v38 =	vmul.f32 v13, v13;
	v39 =	vadd.f32 v14, v13;
	v37 =	vld [tilespmem:s13+$0xFFFFFF30];
	v40 =	vadd.f32 v23, v22  }
0x1e6: {  	v42 =	vmul.f32 v22, v22;
	v10 =	vadd.f32 v10, v17;
	v41 =	vld [tilespmem:s7+$0xFFFFFF40];
	v17 =	vmul.f32 v14, v14  }
0x1e7: {  	v36 =	vadd.f32 v36, v24;
	v44 =	vmul.f32 v23, v23;
	v43 =	vld [tilespmem:s13+$0xFFFFFF40];
	v39 =	vadd.f32 v40, v39  }
0x1e8: {  	v28 =	vadd.f32 v28, v35;
	v20 =	vadd.f32 v20, v31;
	v24 =	vmul.f32 v10, v10;
	v40 =	vld [tilespmem:s7+$0xFFFFFF50]  }
0x1e9: {  	v35 =	vadd.f32 v44, v42;
	v17 =	vadd.f32 v17, v38;
	v38 =	vmul.bf16 v15, v4;
	v31 =	vld [tilespmem:s13+$0xFFFFFF50]  }
0x1ea: {  	v15 =	vadd.f32 v25, v34;
	v34 =	vadd.f32 v39, v36;
	v36 =	vmul.bf16 v16, v1;
	v25 =	vld [tilespmem:s7+$0xFFFFFF60]  }
0x1eb: {  	v20 =	vadd.f32 v20, v28;
	v28 =	vadd.f32 v35, v17;
	v35 =	vmul.bf16 v18, v2;
	v39 =	vld [tilespmem:s13+$0xFFFFFF60]  }
0x1ec: {  	v42 =	vmul.f32 v15, v15;
	v17 =	vadd.f32 v37, v19;
	v16 =	vadd.f32 v43, v41;
	v37 =	vld [tilespmem:s7+$0xFFFFFF70];
	(xrf2) =	vadd.scan.msk.f32 $0xffff, v34  }
0x1ed: {  	v19 =	vadd.f32 v28, v20;
	v28 =	vmul.bf16 v32, v3;
	v32 =	vmul.bf16 v26, v4;
	v34 =	vld [tilespmem:s13+$0xFFFFFF70]  }
0x1ee: {  	v20 =	vmul.f32 v17, v17;
	v41 =	vmul.f32 v16, v16;
	v18 =	vadd.f32 v31, v40;
	v31 =	vld [tilespmem:s7+$0xFFFFFF80]  }
0x1ef: {  	v29 =	vadd.bf16 v29, v5;
	v26 =	vadd.f32 v17, v15;
	v43 =	vunpack.i.u.bf16.f32 v9;
	v40 =	vld [tilespmem:s13+$0xFFFFFF80];
	(xrf2) =	vadd.scan.msk.f32 $0xffff, v19  }
0x1f0: {  	v44 =	vmul.f32 v18, v18;
	v19 =	vadd.f32 v39, v25;
	v39 =	vadd.f32 v18, v16;
	v45 =	vld [tilespmem:s7+$0xFFFFFF90];
	[tilespmem:s15+$0xD0] =	vst v43  }
0x1f1: {  	v0 =	vadd.bf16 v0, v6;
	v25 =	vadd.f32 v20, v42;
	v43 =	vunpack.i.u.bf16.f32 v29;
	v42 =	vld [tilespmem:s13+$0xFFFFFF90]  }
0x1f2: {  	v46 =	vmul.f32 v19, v19;
	v20 =	vadd.f32 v34, v37;
	v34 =	vadd.f32 v44, v41;
	v44 =	vld [tilespmem:s7+$0xFFFFFFA0];
	[tilespmem:s15+$0xFFFFFF10] =	vst v43  }
0x1f3: {  	v48 =	vadd.bf16 v33, v7;
	v38 =	vadd.bf16 v38, v8;
	v37 =	vunpack.i.l.bf16.f32 v29;
	v43 =	vld [tilespmem:s13+$0xFFFFFFA0]  }
0x1f4: {  	v33 =	vmul.f32 v20, v20;
	v47 =	vadd.f32 v20, v19;
	v29 =	vadd.f32 v40, v31;
	v40 =	vld [tilespmem:s7+$0xFFFFFFB0];
	[tilespmem:s15+$0xFFFFFF00] =	vst v37  }
0x1f5: {  	v50 =	vunpack.i.u.bf16.f32 v0;
	v51 =	vadd.bf16 v36, v5;
	v41 =	vadd.bf16 v35, v6;
	v49 =	vld [tilespmem:s13+$0xFFFFFFB0]  }
0x1f6: {  	v37 =	vadd.f32 v47, v39;
	v35 =	vmul.f32 v29, v29;
	v31 =	vadd.f32 v42, v45;
	v42 =	vld [tilespmem:s7+$0xFFFFFFC0];
	v36, _, _ =	vpop (xrf2);
	[tilespmem:s15+$0xFFFFFF30] =	vst v50  }
0x1f7: {  	v0 =	vunpack.i.l.bf16.f32 v0;
	v39 =	vadd.f32 v33, v46;
	v45 =	vadd.bf16 v28, v7;
	v46 =	vld [tilespmem:s13+$0xFFFFFFC0]  }
0x1f8: {  	v28 =	vperm.xlane v36, v58;
	v47 =	vmul.f32 v31, v31;
	v33 =	vadd.f32 v43, v44;
	v43 =	vld [tilespmem:s7+$0xFFFFFFD0];
	[tilespmem:s15+$0xFFFFFF20] =	vst v0  }
0x1f9: {  	v50 =	vunpack.i.u.bf16.f32 v48;
	v39 =	vadd.f32 v39, v34;
	v34 =	vadd.f32 v31, v29;
	v0 =	vld [tilespmem:s13+$0xFFFFFFD0];
	v44, _, _ =	vpop (xrf2)  }
0x1fa: {  	v28 =	vmul.f32 $7.812500000e-03, v28;
	v36 =	vadd.f32 v49, v40;
	v49 =	vld [tilespmem:s7+$0xFFFFFFE0];
	v44 =	vperm.xlane v44, v58;
	[tilespmem:s15+$0xFFFFFF50] =	vst v50  }
0x1fb: {  	v50 =	vmul.f32 v33, v33;
	v53 =	vadd.f32 v47, v35;
	v35 =	vadd.bf16 v32, v8;
	v52 =	vld [tilespmem:s13+$0xFFFFFFE0]  }
0x1fc: {  	v40 =	vadd.f32 v46, v42;
	v32 =	vld [tilespmem:s7+$0xFFFFFFF0];
	v44 =	vmul.f32 $7.812500000e-03, v44;
	v46 =	vmul.f32 v28, v28  }
0x1fd: {  	v47 =	vsub.f32 v27, v28;
	v54 =	vmul.f32 v36, v36;
	v56 =	vadd.f32 v36, v33;
	v55 =	vld [tilespmem:s13+$0xFFFFFFF0]  }
0x1fe: {  	v27 =	vmul.f32 v40, v40;
	v42 =	vadd.f32 v0, v43;
	v0 =	vld [tilespmem:s7+$0x0];
	v43 =	vsub.f32 v44, v46  }
0x1ff: {  	v48 =	vunpack.i.l.bf16.f32 v48;
	v34 =	vadd.f32 v56, v34;
	v46 =	vadd.f32 v54, v50;
	v50 =	vld [tilespmem:s13+$0x0]  }
0x200: {  	v54 =	vmul.f32 v42, v42;
	v44 =	vadd.f32 v52, v49;
	v49 =	vld [tilespmem:s7+$0x10];
	v43 =	vadd.f32 $9.999999970e-07, v43;
	[tilespmem:s15+$0xFFFFFF40] =	vst v48  }
0x201: {  	v56 =	vunpack.i.u.bf16.f32 v38;
	v48 =	vadd.f32 v42, v40;
	v52 =	vadd.f32 v46, v53;
	v53 =	vld [tilespmem:s13+$0x10]  }
0x202: {  	v46 =	vadd.f32 v55, v32;
	v32 =	vld [tilespmem:s7+$0x20];
	v55 =	vshrl.u32 v43, $0x1;
	v43 =	vmul.f32 $5.000000000e-01, v43;
	[tilespmem:s15+$0xFFFFFF70] =	vst v56  }
0x203: {  	v56 =	vmul.f32 v44, v44;
	v54 =	vadd.f32 v54, v27;
	v57 =	vld [tilespmem:s13+$0x20];
	v55 =	vsub.s32 $0x5F3759DF, v55  }
0x204: {  	v58 =	vmul.f32 v46, v46;
	v27 =	vadd.f32 v50, v0;
	v0 =	vld [tilespmem:s7+$0x30];
	v50 =	vmul.f32 v55, v43  }
0x205: {  	v61 =	vsub.f32 v30, v28;
	v38 =	vunpack.i.l.bf16.f32 v38;
	v59 =	vadd.f32 v46, v44;
	v60 =	vld [tilespmem:s13+$0x30]  }
0x206: {  	v62 =	vmul.f32 v27, v27;
	v30 =	vadd.f32 v53, v49;
	v49 =	vld [tilespmem:s7+$0x40];
	v50 =	vmul.f32 v55, v50;
	[tilespmem:s15+$0xFFFFFF60] =	vst v38  }
0x207: {  	v38 =	vadd.f32 v59, v48;
	v53 =	vld [tilespmem:s13+$0x40]  }
0x208: {  	v48 =	vadd.f32 v58, v56;
	v56 =	vunpack.i.u.bf16.f32 v51;
	v32 =	vadd.f32 v57, v32  }
0x209: {  	v58 =	vmul.f32 v30, v30;
	v57 =	vld [tilespmem:s7+$0x50];
	v50 =	vsub.f32 $1.500000000e+00, v50;
	[tilespmem:s15+$0x10] =	vst v56;
	v38 =	vadd.f32 v38, v34  }
0x20a: {  	v51 =	vunpack.i.l.bf16.f32 v51;
	v59 =	vadd.f32 v30, v27;
	v48 =	vadd.f32 v48, v54;
	v56 =	vld [tilespmem:s13+$0x50]  }
0x20b: {  	v63 =	vmul.f32 v32, v32;
	v34 =	vadd.f32 v60, v0;
	v0 =	vld [tilespmem:s7+$0x60];
	v50 =	vmul.f32 v55, v50;
	[tilespmem:s15+$0x0] =	vst v51  }
0x20c: {  	v54 =	vadd.f32 v58, v62;
	v55 =	vunpack.i.u.bf16.f32 v41;
	v51 =	vld [tilespmem:s13+$0x60];
	(xrf2) =	vadd.scan.msk.f32 $0xffff, v38;
	v38 =	vadd.f32 v53, v49  }
0x20d: {  	v58 =	vmul.f32 v34, v34;
	v49 =	vld [tilespmem:s7+$0x70];
	v43 =	vmul.f32 v50, v43;
	[tilespmem:s15+$0x30] =	vst v55;
	v53 =	vadd.f32 v34, v32  }
0x20e: {  	v48 =	vadd.f32 v48, v52;
	v55 =	vunpack.i.l.bf16.f32 v41;
	v52 =	vld [tilespmem:s13+$0x70];
	v62 =	vmul.f32 v38, v38  }
0x20f: {  	v60 =	vld [tilespmem:s7+$0xFFFFFF00];
	v41 =	vadd.f32 v56, v57;
	v56 =	vmul.f32 v43, v50;
	[tilespmem:s15+$0x20] =	vst v55;
	v53 =	vadd.f32 v53, v59  }
0x210: {  	v55 =	vadd.f32 v58, v63;
	v58 =	vimm.s32 $0xF;
	(xrf2) =	vadd.scan.msk.f32 $0xffff, v48;
	v48 =	vunpack.i.u.bf16.f32 v45  }
0x211: {  	v57 =	vmul.f32 v41, v41;
	v43 =	vadd.f32 v51, v0;
	v0 =	vsub.f32 $1.500000000e+00, v56;
	[tilespmem:s15+$0x50] =	vst v48  }
0x212: {  	v45 =	vunpack.i.l.bf16.f32 v45;
	v48 =	vadd.f32 v41, v38;
	v51 =	vadd.f32 v55, v54  }
0x213: {  	v22 =	vsub.f32 v22, v28;
	v23 =	vsub.f32 v23, v28;
	v0 =	vmul.f32 v0, v50;
	[tilespmem:s15+$0x40] =	vst v45  }
0x214: {  	v50 =	vmul.f32 v43, v43;
	v45 =	vadd.f32 v52, v49;
	v21 =	vadd.f32 v21, v60  }
0x215: {  	v49 =	vadd.f32 v57, v62;
	v22 =	vmul.f32 v0, v22;
	v23 =	vmul.f32 v0, v23  }
0x216: {  	v55 =	vmul.f32 v45, v45;
	v52 =	vmul.f32 v21, v21;
	v54 =	vadd.f32 v10, v21;
	v56, _, _ =	vpop (xrf2)  }
0x217: {  	v57 =	vadd.f32 v45, v43;
	v56 =	vperm.xlane v56, v58;
	v22 =	vpack.i.f32.bf16 v23, v22  }
0x218: {  	v23 =	vadd.f32 v26, v54;
	v24 =	vadd.f32 v24, v52;
	v52 =	vmul.bf16 v22, v4  }
0x219: {  	v48 =	vadd.f32 v57, v48;
	v50 =	vadd.f32 v55, v50;
	v26 =	vmul.f32 $7.812500000e-03, v56  }
0x21a: {  	v23 =	vadd.f32 v37, v23;
	v37 =	vmul.f32 v0, v47;
	v47 =	vadd.bf16 v52, v8;
	v22, _, _ =	vpop (xrf2)  }
0x21b: {  	v24 =	vadd.f32 v25, v24;
	v25 =	vadd.f32 v48, v53;
	v22 =	vperm.xlane v22, v58  }
0x21c: {  	s15 =	sadd.s32 $0x200, s15;
	v49 =	vadd.f32 v50, v49;
	v48 =	vmul.f32 v26, v26;
	v50 =	vunpack.i.u.bf16.f32 v47;
	(xrf2) =	vadd.scan.msk.f32 $0xffff, v23  }
0x21d: {  	v29 =	vsub.f32 v29, v26;
	v23 =	vadd.f32 v39, v24;
	v22 =	vmul.f32 $7.812500000e-03, v22;
	[tilespmem:s15+$0xF0] =	vst v50  }
0x21e: {  	v31 =	vsub.f32 v31, v26;
	v24 =	vadd.f32 v49, v51;
	v39 =	vmul.f32 v0, v61  }
0x21f: {  	v33 =	vsub.f32 v33, v26;
	v22 =	vsub.f32 v22, v48;
	(xrf2) =	vadd.scan.msk.f32 $0xffff, v25;
	v25 =	vunpack.i.u.bf16.f32 v35  }
0x220: {  	v36 =	vsub.f32 v36, v26;
	v40 =	vsub.f32 v40, v26;
	v37 =	vpack.i.f32.bf16 v39, v37;
	[tilespmem:s19+$0x70] =	vst v25  }
0x221: {  	v39 =	vsub.f32 v42, v26;
	v25 =	vmul.bf16 v37, v1;
	v22 =	vadd.f32 $9.999999970e-07, v22  }
0x222: {  	v42 =	vsub.f32 v46, v26;
	v37 =	vsub.f32 v44, v26;
	(xrf2) =	vadd.scan.msk.f32 $0xffff, v23;
	v23 =	vunpack.i.l.bf16.f32 v35  }
0x223: {  	v11 =	vsub.f32 v11, v28;
	v26 =	vshrl.u32 v22, $0x1;
	v35 =	vmul.f32 $5.000000000e-01, v22;
	[tilespmem:s19+$0x60] =	vst v23  }
0x224: {  	v12 =	vsub.f32 v12, v28;
	v13 =	vsub.f32 v13, v28;
	v22 =	vsub.s32 $0x5F3759DF, v26  }
0x225: {  	v14 =	vsub.f32 v14, v28;
	v11 =	vmul.f32 v0, v11;
	v23 =	vmul.f32 v22, v35;
	(xrf2) =	vadd.scan.msk.f32 $0xffff, v24  }
0x226: {  	v12 =	vmul.f32 v0, v12;
	v13 =	vmul.f32 v0, v13;
	v24 =	vadd.bf16 v25, v5;
	v25, _, _ =	vpop (xrf2)  }
0x227: {  	v9 =	vunpack.i.l.bf16.f32 v9;
	v25 =	vperm.xlane v25, v58;
	v23 =	vmul.f32 v22, v23  }
0x228: {  	v28 =	vpack.i.f32.bf16 v12, v11;
	v0 =	vmul.f32 v0, v14;
	v26 =	vunpack.i.u.bf16.f32 v24;
	[tilespmem:s19+$0xC0] =	vst v9;
	s19 =	smov.u32 s15  }
0x229: {  	v9 =	vmul.bf16 v28, v2;
	v12 =	vmul.f32 $7.812500000e-03, v25;
	v14 =	vsub.f32 $1.500000000e+00, v23;
	[tilespmem:s15+$0x90] =	vst v26;
	v11, _, _ =	vpop (xrf2)  }
0x22a: {  	v0 =	vpack.i.f32.bf16 v0, v13;
	v23 =	vunpack.i.l.bf16.f32 v24;
	v26 =	vperm.xlane v11, v58  }
0x22b: {  	v13 =	vmul.f32 v12, v12;
	v24 =	vsub.f32 v21, v12;
	v28 =	vmul.f32 v22, v14;
	[tilespmem:s15+$0x80] =	vst v23  }
0x22c: {  	v25 =	vsub.f32 v10, v12;
	v22 =	vsub.f32 v15, v12;
	v10 =	vmul.f32 $7.812500000e-03, v26;
	v11, _, _ =	vpop (xrf2)  }
0x22d: {  	v21 =	vsub.f32 v17, v12;
	v11 =	vperm.xlane v11, v58;
	v15 =	vmul.f32 v28, v35  }
0x22e: {  	v23 =	vsub.f32 v16, v12;
	v14 =	vsub.f32 v18, v12;
	v17 =	vmul.f32 v10, v10  }
0x22f: {  	v19 =	vsub.f32 v19, v12;
	v11 =	vmul.f32 $7.812500000e-03, v11;
	v18 =	vmul.f32 v15, v28;
	v16, _, _ =	vpop (xrf2)  }
0x230: {  	v15 =	vsub.f32 v20, v12;
	v12 =	vperm.xlane v16, v58;
	v16 =	vsub.f32 v27, v10  }
0x231: {  	v26 =	vmul.bf16 v0, v3;
	v11 =	vsub.f32 v11, v13;
	v13 =	vsub.f32 $1.500000000e+00, v18  }
0x232: {  	v20 =	vsub.f32 v30, v10;
	v18 =	vsub.f32 v32, v10;
	v0 =	vmul.f32 $7.812500000e-03, v12  }
0x233: {  	v11 =	vadd.f32 $9.999999970e-07, v11;
	v30 =	vmul.f32 v13, v28;
	v13 =	vsub.f32 v34, v10  }
0x234: {  	v12 =	vunpack.i.l.bf16.f32 v47;
	v0 =	vsub.f32 v0, v17;
	v17 =	vsub.f32 v38, v10  }
0x235: {  	v27 =	vshrl.u32 v11, $0x1;
	v32 =	vmul.f32 $5.000000000e-01, v11;
	v11 =	vsub.f32 v41, v10;
	[tilespmem:s15+$0xE0] =	vst v12  }
0x236: {  	v12 =	vsub.f32 v43, v10;
	v28 =	vsub.s32 $0x5F3759DF, v27;
	v0 =	vadd.f32 $9.999999970e-07, v0  }
0x237: {  	v35 =	vmul.f32 v30, v29;
	v10 =	vsub.f32 v45, v10;
	v34 =	vmul.f32 v28, v32  }
0x238: {  	v31 =	vmul.f32 v30, v31;
	v29 =	vshrl.u32 v0, $0x1;
	v27 =	vmul.f32 $5.000000000e-01, v0  }
0x239: {  	v33 =	vmul.f32 v30, v33;
	v0 =	vmul.f32 v28, v34;
	v29 =	vsub.s32 $0x5F3759DF, v29  }
0x23a: {  	v31 =	vpack.i.f32.bf16 v31, v35;
	v34 =	vmul.f32 v30, v36;
	v35 =	vmul.f32 v29, v27  }
.Ltmp1:
0x23b: {  	v38 =	vmul.f32 v30, v39;
	v36 =	vmul.f32 v30, v40;
	v0 =	vsub.f32 $1.500000000e+00, v0;
	(pc) =	sbr.rel @p1 .LBB2_5-.Ltmp1, $4  }
0x23c: {  	v37 =	vmul.f32 v30, v37;
	v33 =	vpack.i.f32.bf16 v34, v33;
	v34 =	vmul.f32 v29, v35  }
0x23d: {  	v35 =	vmul.f32 v30, v42;
	v28 =	vmul.f32 v28, v0;
	v0 =	vpack.i.f32.bf16 v38, v36  }
0x23e: {  	v31 =	vmul.bf16 v31, v1;
	v30 =	vmul.bf16 v33, v2;
	v34 =	vsub.f32 $1.500000000e+00, v34  }
0x23f: {  	s7 =	sadd.s32 $0x200, s7;
	v35 =	vpack.i.f32.bf16 v35, v37;
	v33 =	vmul.f32 v28, v32;
	v32 =	vmul.bf16 v0, v3  }
0x240: {  	v0 =	vmul.bf16 v35, v4;
	v29 =	vmul.f32 v29, v34;
	v31 =	vadd.bf16 v31, v5  }
0x241: {  	v30 =	vadd.bf16 v30, v6;
	v9 =	vadd.bf16 v9, v6;
	v33 =	vmul.f32 v33, v28  }
0x242: {  	v26 =	vadd.bf16 v26, v7;
	v32 =	vadd.bf16 v32, v7  }
0x243: {  	v0 =	vadd.bf16 v0, v8;
	v27 =	vmul.f32 v29, v27;
	v33 =	vsub.f32 $1.500000000e+00, v33  }
0x244: {  	v54 =	vunpack.i.u.bf16.f32 v31;
	v31 =	vunpack.i.l.bf16.f32 v31;
	v55 =	vunpack.i.u.bf16.f32 v30  }
0x245: {  	v30 =	vunpack.i.l.bf16.f32 v30;
	v60 =	vunpack.i.u.bf16.f32 v9;
	[tilespmem:s15+$0xFFFFFF90] =	vst v54;
	v56 =	vmul.f32 v33, v28  }
0x246: {  	v62 =	vunpack.i.u.bf16.f32 v26;
	[tilespmem:s15+$0xFFFFFF80] =	vst v31;
	v57 =	vunpack.i.u.bf16.f32 v32;
	v32 =	vunpack.i.l.bf16.f32 v32  }
0x247: {  	[tilespmem:s15+$0xFFFFFFA0] =	vst v30;
	v27 =	vmul.f32 v27, v29;
	v59 =	vunpack.i.u.bf16.f32 v0;
	v24 =	vmul.f32 v56, v24  }
0x248: {  	[tilespmem:s15+$0xFFFFFFB0] =	vst v55;
	v0 =	vunpack.i.l.bf16.f32 v0;
	v25 =	vmul.f32 v56, v25;
	v22 =	vmul.f32 v56, v22  }
0x249: {  	[tilespmem:s15+$0xB0] =	vst v60;
	v27 =	vsub.f32 $1.500000000e+00, v27;
	v21 =	vmul.f32 v56, v21;
	v23 =	vmul.f32 v56, v23  }
0x24a: {  	[tilespmem:s15+$0xD0] =	vst v62;
	v14 =	vmul.f32 v56, v14;
	v19 =	vmul.f32 v56, v19;
	v24 =	vpack.i.f32.bf16 v25, v24  }
0x24b: {  	[tilespmem:s15+$0xFFFFFFE0] =	vst v0;
	v0 =	vunpack.i.l.bf16.f32 v9;
	v27 =	vmul.f32 v27, v29;
	v61 =	vmul.bf16 v24, v1  }
0x24c: {  	[tilespmem:s15+$0xFFFFFFC0] =	vst v32;
	v15 =	vmul.f32 v56, v15;
	v9 =	vpack.i.f32.bf16 v21, v22;
	v14 =	vpack.i.f32.bf16 v14, v23  }
0x24d: {  	[tilespmem:s15+$0xA0] =	vst v0;
	v16 =	vmul.f32 v27, v16;
	v0 =	vmul.bf16 v9, v2;
	v9 =	vadd.bf16 v61, v5  }
0x24e: {  	[tilespmem:s15+$0xFFFFFFD0] =	vst v57;
	v15 =	vpack.i.f32.bf16 v15, v19;
	v20 =	vmul.f32 v27, v20;
	v18 =	vmul.f32 v27, v18  }
0x24f: {  	[tilespmem:s15+$0xFFFFFFF0] =	vst v59;
	v14 =	vmul.bf16 v14, v3;
	v0 =	vadd.bf16 v0, v6;
	v63 =	vunpack.i.u.bf16.f32 v9  }
0x250: {  	v13 =	vmul.f32 v27, v13;
	v17 =	vmul.f32 v27, v17;
	v9 =	vunpack.i.l.bf16.f32 v9;
	[tilespmem:s15+$0xFFFFFF10] =	vst v63  }
0x251: {  	v15 =	vmul.bf16 v15, v4;
	v14 =	vadd.bf16 v14, v7;
	[tilespmem:s15+$0xFFFFFF00] =	vst v9;
	v9 =	vunpack.i.u.bf16.f32 v0  }
0x252: {  	v11 =	vmul.f32 v27, v11;
	v16 =	vpack.i.f32.bf16 v20, v16;
	v0 =	vunpack.i.l.bf16.f32 v0;
	[tilespmem:s15+$0xFFFFFF30] =	vst v9  }
0x253: {  	v15 =	vadd.bf16 v15, v8;
	v9 =	vmul.bf16 v16, v1;
	[tilespmem:s15+$0xFFFFFF20] =	vst v0;
	v0 =	vunpack.i.u.bf16.f32 v14  }
0x254: {  	v12 =	vmul.f32 v27, v12;
	v13 =	vpack.i.f32.bf16 v13, v18;
	[tilespmem:s15+$0xFFFFFF50] =	vst v0;
	v0 =	vunpack.i.l.bf16.f32 v14  }
0x255: {  	v13 =	vmul.bf16 v13, v2;
	v9 =	vadd.bf16 v9, v5;
	[tilespmem:s15+$0xFFFFFF40] =	vst v0;
	v0 =	vunpack.i.u.bf16.f32 v15  }
0x256: {  	v10 =	vmul.f32 v27, v10;
	v11 =	vpack.i.f32.bf16 v11, v17;
	[tilespmem:s15+$0xFFFFFF70] =	vst v0;
	v0 =	vunpack.i.l.bf16.f32 v15  }
0x257: {  	v11 =	vmul.bf16 v11, v3;
	v13 =	vadd.bf16 v13, v6;
	[tilespmem:s15+$0xFFFFFF60] =	vst v0;
	v0 =	vunpack.i.u.bf16.f32 v9  }
0x258: {  	v10 =	vpack.i.f32.bf16 v10, v12;
	[tilespmem:s15+$0x10] =	vst v0;
	v0 =	vunpack.i.l.bf16.f32 v9  }
0x259: {  	v9 =	vmul.bf16 v10, v4;
	v10 =	vadd.bf16 v11, v7;
	[tilespmem:s15+$0x0] =	vst v0;
	v0 =	vunpack.i.u.bf16.f32 v13  }
0x25a: {  	[tilespmem:s15+$0x30] =	vst v0;
	v0 =	vunpack.i.l.bf16.f32 v13  }
0x25b: {  	s1 =	sadd.s32 $0x1, s1;
	v9 =	vadd.bf16 v9, v8;
	[tilespmem:s15+$0x20] =	vst v0;
	v0 =	vunpack.i.u.bf16.f32 v10  }
0x25c: {  	p1 =	sne.s32 s1, $0x19;
	[tilespmem:s15+$0x50] =	vst v0;
	v0 =	vunpack.i.l.bf16.f32 v10  }
.Ltmp2:
0x25d: {  	[tilespmem:s15+$0x40] =	vst v0;
	v0 =	vunpack.i.u.bf16.f32 v9;
	(pc) =	sbr.rel @p1 .LBB2_2-.Ltmp2, $4  }
0x25e: {  	[tilespmem:s19+$0x70] =	vst v0;
	v0 =	vunpack.i.l.bf16.f32 v9  }
0x25f: {  	s2 =	sshll.u32 s2, $0x4;
	[tilespmem:s19+$0x60] =	vst v0;
	v0 =	vunpack.i.l.bf16.f32 v26  }
0x260: {  	s2 =	sadd.s32 s4, s2;
	[tilespmem:s19+$0xC0] =	vst v0  }
0x261: {  	[hbm4b:s2+s6] =	stream.linear.scatter [tilespmem:s29], [sflag:$0x6], $0x4000, $0x38;
	[tilespmem:$0x1C580] =	vst v63  }
0x262: {  	s3 =	sadd.s32 $0x1, s3  }
0x263: {  	_ =	swait.ge [sflag:s30], $0x4000;
	p1 =	sne.s32 s3, s12  }
.Ltmp3:
0x264: {  	[sflag:s30] =	ssyncset.done $0x0;
	(pc) =	sbr.rel @p1 .LBB2_1-.Ltmp3, $4  }
0x265: {  	[sflag:s30] =	ssyncadd.s32 $0xFFFFC000  }
0x266: {  	_ =	swait.ge [sflag:s31], $0x4000  }
0x267: {  	[sflag:s31] =	ssyncset.done $0x0  }
0x268: {  	[sflag:s31] =	ssyncadd.s32 $0xFFFFC000  }
0x269: {  	_ =	sfence.sel $0x180000  }
0x26a: {  	[bflag:$0x0] =	sbarrier.arrive $0xFFFF  }
0x26b: {  	_ =	strace $0x90000047  }
0x26c: {  	[bflag:$0x2] =	sbarrier.arrive $0xFFFF  }
0x26d: {  	s0 =	rddreg [dreg:$0x6]  }
0x26e: {  	s0 =	sadd.s32 @!p0 $0x100000, s0  }
0x26f: {  	[sflag:s0] =	ssyncadd.tile.s32 @!p0 $0x1;
	_ =	shalt  }
.Lfunc_end2:
_tile_overlayer_lowered:
.L_overlay_start_2:
0x270: {  	(tag) =	ssettag $0x2  }
0x271: {  	s0 =	rddreg [dreg:$0x0];
	s2 =	stileid.u32  }
0x272: {  	s1 =	rddreg [dreg:$0x1];
	p0 =	sne.s32 s2, $0x0  }
0x273: {  	s3 =	rddreg [dreg:$0x2];
	[bflag:$0x3] =	sbarrier.arrive $0xFFFF;
	s2 =	simm.s32 @!p0 $0x1C07  }
0x274: {  	[timem:s3], [sflag:s2] =	dma.local @!p0 [hbm:s0], s1  }
0x275: {  	s0 =	simm.s32 @!p0 $0x7  }
0x276: {  	_ =	swait.ge @!p0 [sflag:s0], s1  }
0x277: {  	s1 =	ssub.s32 @!p0 $0x0, s1;
	[sflag:s0] =	ssyncset.done @!p0 $0x0  }
0x278: {  	[sflag:s0] =	ssyncadd.s32 @!p0 s1  }
0x279: {  	[bflag:$0x3] =	sbarrier.arrive $0xFFFF  }
0x27a: {  	_ =	shalt  }

</sc_bundles>
